<compile_context>
chip_gen: v7x
topology: tpu7x:2x2x1
jax: 0.10.2.dev20260603
libtpu: 0.0.44.dev20260713+nightly
codegen_flags: <defaults>
</compile_context>

<pallas_src>
import functools

import jax
import jax.numpy as jnp
from jax import lax
from jax.experimental import pallas as pl
from jax.experimental.pallas import tpu as pltpu
from jax.experimental.pallas import tpu_sc as plsc

B = 16384
EMB = 64
NC = 2
NS = 16
NW = NC * NS
BPW = B // NW
NBODY = BPW // 4
IDXPAD = BPW + 32


def _mf_body(u_id, i_id, uembT, ub1, iembT, ib1, mean, out,
             idx_u, idx_i, UW_A, IW_A, UW_B, IW_B,
             Ub_A, Ib_A, Ub_B, Ib_B, P, outv, meanv, semA, semB):
    wid = lax.axis_index("s") * NC + lax.axis_index("c")
    base = wid * BPW

    pltpu.sync_copy(u_id.at[pl.ds(base, BPW)], idx_u.at[pl.ds(0, BPW)])
    pltpu.sync_copy(i_id.at[pl.ds(base, BPW)], idx_i.at[pl.ds(0, BPW)])
    pltpu.sync_copy(mean, meanv.at[pl.ds(0, 1)])

    m16 = meanv[...][0] * 0.0625
    iot = lax.iota(jnp.int32, 16)

    def enq(uv, iv, UWx, IWx, Ubx, Ibx, semx):
        for j in range(2):
            uid = uv[j]
            iid = iv[j]
            cu = pl.multiple_of(lax.shift_right_logical(uid, 7) * 128, 128)
            ci = pl.multiple_of(lax.shift_right_logical(iid, 7) * 128, 128)
            pltpu.async_copy(uembT.at[:, pl.ds(cu, 128)], UWx.at[j], semx)
            pltpu.async_copy(iembT.at[:, pl.ds(ci, 128)], IWx.at[j], semx)
            pltpu.async_copy(ub1.at[pl.ds(cu, 128)],
                             Ubx.at[pl.ds(j * 128, 128)], semx)
            pltpu.async_copy(ib1.at[pl.ds(ci, 128)],
                             Ibx.at[pl.ds(j * 128, 128)], semx)

    def drain(UWx, IWx, Ubx, Ibx, semx):
        for j in range(2):
            pltpu.make_async_copy(
                uembT.at[:, pl.ds(0, 128)], UWx.at[j], semx).wait()
            pltpu.make_async_copy(
                iembT.at[:, pl.ds(0, 128)], IWx.at[j], semx).wait()
            pltpu.make_async_copy(
                ub1.at[pl.ds(0, 128)], Ubx.at[pl.ds(j * 128, 128)], semx).wait()
            pltpu.make_async_copy(
                ib1.at[pl.ds(0, 128)], Ibx.at[pl.ds(j * 128, 128)], semx).wait()

    def comp(p0, uv, iv, UWx, IWx, Ubx, Ibx):
        for j in range(2):
            uid = uv[j]
            iid = iv[j]
            luv = jnp.full((16,), 0, jnp.int32) + lax.bitwise_and(uid, jnp.int32(127))
            liv = jnp.full((16,), 0, jnp.int32) + lax.bitwise_and(iid, jnp.int32(127))
            jv = jnp.full((16,), j, jnp.int32)
            acc = jnp.zeros((16,), jnp.float32)
            for g in range(4):
                fv = g * 16 + iot
                uu = plsc.load_gather(UWx, [jv, fv, luv])
                vv = plsc.load_gather(IWx, [jv, fv, liv])
                acc = acc + uu * vv
            ubv = plsc.load_gather(Ubx, [jnp.full((16,), j * 128, jnp.int32) + luv])
            ibv = plsc.load_gather(Ibx, [jnp.full((16,), j * 128, jnp.int32) + liv])
            acc = acc + (ubv + ibv) * 0.0625 + m16
            P[pl.ds((p0 + j) * 16, 16)] = acc

    enq(idx_u[pl.ds(0, 16)], idx_i[pl.ds(0, 16)],
        UW_A, IW_A, Ub_A, Ib_A, semA)
    enq(idx_u[pl.ds(2, 16)], idx_i[pl.ds(2, 16)],
        UW_B, IW_B, Ub_B, Ib_B, semB)

    def body(k, carry):
        pA = k * 4
        uvA = idx_u[pl.ds(pA, 16)]
        ivA = idx_i[pl.ds(pA, 16)]
        drain(UW_A, IW_A, Ub_A, Ib_A, semA)
        comp(pA, uvA, ivA, UW_A, IW_A, Ub_A, Ib_A)

        @pl.when(k < NBODY - 1)
        def _():
            enq(idx_u[pl.ds(pA + 4, 16)], idx_i[pl.ds(pA + 4, 16)],
                UW_A, IW_A, Ub_A, Ib_A, semA)

        pB = k * 4 + 2
        uvB = idx_u[pl.ds(pB, 16)]
        ivB = idx_i[pl.ds(pB, 16)]
        drain(UW_B, IW_B, Ub_B, Ib_B, semB)
        comp(pB, uvB, ivB, UW_B, IW_B, Ub_B, Ib_B)

        @pl.when(k < NBODY - 1)
        def _():
            enq(idx_u[pl.ds(pB + 4, 16)], idx_i[pl.ds(pB + 4, 16)],
                UW_B, IW_B, Ub_B, Ib_B, semB)

        return carry

    lax.fori_loop(0, NBODY, body, 0)

    def phase2(b, carry):
        pvec = (b * 16 + iot) * 16
        acc = jnp.zeros((16,), jnp.float32)
        for l in range(16):
            acc = acc + plsc.load_gather(P, [pvec + jnp.full((16,), l, jnp.int32)])
        outv[pl.ds(b * 16, 16)] = acc
        return carry

    lax.fori_loop(0, BPW // 16, phase2, 0)

    pltpu.sync_copy(outv, out.at[pl.ds(base, BPW)])


@jax.jit
def kernel(u_id, i_id, user_emb_w, user_bias_w, item_emb_w, item_bias_w, mean):
    mesh = plsc.VectorSubcoreMesh(core_axis_name="c", subcore_axis_name="s")
    f = functools.partial(
        pl.kernel,
        out_type=jax.ShapeDtypeStruct((B,), jnp.float32),
        mesh=mesh,
        scratch_types=[
            pltpu.VMEM((IDXPAD,), jnp.int32),
            pltpu.VMEM((IDXPAD,), jnp.int32),
            pltpu.VMEM((2, EMB, 128), jnp.float32),
            pltpu.VMEM((2, EMB, 128), jnp.float32),
            pltpu.VMEM((2, EMB, 128), jnp.float32),
            pltpu.VMEM((2, EMB, 128), jnp.float32),
            pltpu.VMEM((256,), jnp.float32),
            pltpu.VMEM((256,), jnp.float32),
            pltpu.VMEM((256,), jnp.float32),
            pltpu.VMEM((256,), jnp.float32),
            pltpu.VMEM((BPW * 16,), jnp.float32),
            pltpu.VMEM((BPW,), jnp.float32),
            pltpu.VMEM((16,), jnp.float32),
            pltpu.SemaphoreType.DMA,
            pltpu.SemaphoreType.DMA,
        ],
        compiler_params=pltpu.CompilerParams(
            needs_layout_passes=False, use_tc_tiling_on_sc=True),
    )(_mf_body)
    return f(u_id.astype(jnp.int32), i_id.astype(jnp.int32),
             user_emb_w.T, user_bias_w.reshape(-1),
             item_emb_w.T, item_bias_w.reshape(-1), mean)

# --- scband reference (transcript-rebuilt; emitter-appended) ---
"""Pipeline reference for scband-mf-11433202942821 (READ-ONLY COPY).

The authoritative reference and input builder live on the scoring server;
editing this copy changes nothing except your own understanding.
"""

import jax, jax.numpy as jnp
import numpy as np

NUM_USERS = 1000000
NUM_ITEMS = 1000000
EMB = 64
B = 16384

def setup_inputs(seed: int = 0) -> dict:
    key = jax.random.key(seed)
    ks = jax.random.split(key, 6)
    return {
        "u_id": jax.random.randint(ks[0], (B,), 0, NUM_USERS, dtype=jnp.int64 if jax.config.jax_enable_x64 else jnp.int32),
        "i_id": jax.random.randint(ks[1], (B,), 0, NUM_ITEMS, dtype=jnp.int64 if jax.config.jax_enable_x64 else jnp.int32),
        "user_emb_w": jax.random.normal(ks[2], (NUM_USERS, EMB), dtype=jnp.float32) * 0.1,
        "user_bias_w": jax.random.normal(ks[3], (NUM_USERS, 1), dtype=jnp.float32) * 0.1,
        "item_emb_w": jax.random.normal(ks[4], (NUM_ITEMS, EMB), dtype=jnp.float32) * 0.1,
        "item_bias_w": jax.random.normal(ks[5], (NUM_ITEMS, 1), dtype=jnp.float32) * 0.1,
        "mean": jnp.array([3.5], dtype=jnp.float32),
    }

def reference(u_id, i_id, user_emb_w, user_bias_w, item_emb_w, item_bias_w, mean):
    U = jnp.take(user_emb_w, u_id, axis=0)
    U_b = jnp.take(user_bias_w, u_id, axis=0).squeeze(-1)
    I = jnp.take(item_emb_w, i_id, axis=0)
    I_b = jnp.take(item_bias_w, i_id, axis=0).squeeze(-1)
    return (U * I).sum(axis=1) + U_b + I_b + mean

if __name__ == "__main__":
    import jax
    _d = setup_inputs()
    print(jax.jit(kernel)(*tuple(_d.values())))

</pallas_src>

<mosaic_0001>
#map = affine_map<(d0, d1) -> (0)>
#map1 = affine_map<(d0, d1) -> (0, 0)>
module attributes {stable_mosaic.version = 14 : i64} {
  func.func @_mf_body(%arg0: i32, %arg1: i32, %arg2: memref<16384xi32, #tpu.memory_space<hbm>>, %arg3: memref<16384xi32, #tpu.memory_space<hbm>>, %arg4: memref<64x1000000xf32, #tpu.memory_space<hbm>>, %arg5: memref<1000000xf32, #tpu.memory_space<hbm>>, %arg6: memref<64x1000000xf32, #tpu.memory_space<hbm>>, %arg7: memref<1000000xf32, #tpu.memory_space<hbm>>, %arg8: memref<1xf32, #tpu.memory_space<hbm>>, %arg9: memref<16384xf32, #tpu.memory_space<hbm>>, %arg10: memref<544xi32, #tpu.memory_space<vmem>>, %arg11: memref<544xi32, #tpu.memory_space<vmem>>, %arg12: memref<2x64x128xf32, #tpu.memory_space<vmem>>, %arg13: memref<2x64x128xf32, #tpu.memory_space<vmem>>, %arg14: memref<2x64x128xf32, #tpu.memory_space<vmem>>, %arg15: memref<2x64x128xf32, #tpu.memory_space<vmem>>, %arg16: memref<256xf32, #tpu.memory_space<vmem>>, %arg17: memref<256xf32, #tpu.memory_space<vmem>>, %arg18: memref<256xf32, #tpu.memory_space<vmem>>, %arg19: memref<256xf32, #tpu.memory_space<vmem>>, %arg20: memref<8192xf32, #tpu.memory_space<vmem>>, %arg21: memref<512xf32, #tpu.memory_space<vmem>>, %arg22: memref<16xf32, #tpu.memory_space<vmem>>, %arg23: memref<!tpu.dma_semaphore, #tpu.memory_space<semaphore_mem>>, %arg24: memref<!tpu.dma_semaphore, #tpu.memory_space<semaphore_mem>>) attributes {dimension_semantics = [#tpu.dimension_semantics<core_parallel>, #tpu.dimension_semantics<subcore_parallel>], iteration_bounds = array<i64: 2, 16>, scalar_prefetch = 0 : i64, scratch_operands = 15 : i64, tpu.core_type = #tpu.core_type<sc_vector_subcore>, window_params = [{transform_indices = #map}, {transform_indices = #map}, {transform_indices = #map1}, {transform_indices = #map}, {transform_indices = #map1}, {transform_indices = #map}, {transform_indices = #map}, {transform_indices = #map}]} {
    %mul3A = arith.constant 2 : i32
    %mul3A_0 = arith.muli %arg1, %mul3A : i32
    %add3A = arith.addi %mul3A_0, %arg0 : i32
    %mul3A_1 = arith.constant 512 : i32
    %mul3A_2 = arith.muli %add3A, %mul3A_1 : i32
    "tpu.region"() ({
      %run_scoped3A = tpu.sem_alloc : memref<!tpu.dma_semaphore, #tpu.memory_space<semaphore_mem>>
      %dma_start3A_230 = arith.constant 0 : i32
      %dma_start3A_231 = tpu.memref_slice %arg10[%dma_start3A_230] : memref<544xi32, #tpu.memory_space<vmem>> -> memref<512xi32, #tpu.memory_space<vmem>>
      %dma_start3A_232 = tpu.memref_slice %arg2[%mul3A_2] : memref<16384xi32, #tpu.memory_space<hbm>> -> memref<512xi32, #tpu.memory_space<hbm>>
      %dma_start3A_233 = arith.constant 0 : i32
      %dma_start3A_234 = tpu.memref_slice %arg10[%dma_start3A_233] : memref<544xi32, #tpu.memory_space<vmem>> -> memref<512xi32, #tpu.memory_space<vmem>>
      %dma_start3A_235 = tpu.memref_slice %arg2[%mul3A_2] : memref<16384xi32, #tpu.memory_space<hbm>> -> memref<512xi32, #tpu.memory_space<hbm>>
      tpu.enqueue_dma source(%dma_start3A_235 : memref<512xi32, #tpu.memory_space<hbm>>) target(%dma_start3A_234 : memref<512xi32, #tpu.memory_space<vmem>>) target_semaphore(%run_scoped3A : memref<!tpu.dma_semaphore, #tpu.memory_space<semaphore_mem>>)
      %dma_wait3A = arith.constant 0 : i32
      %dma_wait3A_236 = tpu.memref_slice %arg10[%dma_wait3A] : memref<544xi32, #tpu.memory_space<vmem>> -> memref<512xi32, #tpu.memory_space<vmem>>
      %dma_wait3A_237 = tpu.memref_slice %arg2[%mul3A_2] : memref<16384xi32, #tpu.memory_space<hbm>> -> memref<512xi32, #tpu.memory_space<hbm>>
      %dma_wait3A_238 = arith.constant 0 : i32
      %dma_wait3A_239 = tpu.memref_slice %arg10[%dma_wait3A_238] : memref<544xi32, #tpu.memory_space<vmem>> -> memref<512xi32, #tpu.memory_space<vmem>>
      %dma_wait3A_240 = tpu.memref_slice %arg2[%mul3A_2] : memref<16384xi32, #tpu.memory_space<hbm>> -> memref<512xi32, #tpu.memory_space<hbm>>
      tpu.wait_dma2 semaphore(%run_scoped3A : memref<!tpu.dma_semaphore, #tpu.memory_space<semaphore_mem>>) src(%dma_wait3A_240 : memref<512xi32, #tpu.memory_space<hbm>>) dst(%dma_wait3A_239 : memref<512xi32, #tpu.memory_space<vmem>>)
      tpu.yield
    }) : () -> ()
    "tpu.region"() ({
      %run_scoped3A = tpu.sem_alloc : memref<!tpu.dma_semaphore, #tpu.memory_space<semaphore_mem>>
      %dma_start3A_230 = arith.constant 0 : i32
      %dma_start3A_231 = tpu.memref_slice %arg11[%dma_start3A_230] : memref<544xi32, #tpu.memory_space<vmem>> -> memref<512xi32, #tpu.memory_space<vmem>>
      %dma_start3A_232 = tpu.memref_slice %arg3[%mul3A_2] : memref<16384xi32, #tpu.memory_space<hbm>> -> memref<512xi32, #tpu.memory_space<hbm>>
      %dma_start3A_233 = arith.constant 0 : i32
      %dma_start3A_234 = tpu.memref_slice %arg11[%dma_start3A_233] : memref<544xi32, #tpu.memory_space<vmem>> -> memref<512xi32, #tpu.memory_space<vmem>>
      %dma_start3A_235 = tpu.memref_slice %arg3[%mul3A_2] : memref<16384xi32, #tpu.memory_space<hbm>> -> memref<512xi32, #tpu.memory_space<hbm>>
      tpu.enqueue_dma source(%dma_start3A_235 : memref<512xi32, #tpu.memory_space<hbm>>) target(%dma_start3A_234 : memref<512xi32, #tpu.memory_space<vmem>>) target_semaphore(%run_scoped3A : memref<!tpu.dma_semaphore, #tpu.memory_space<semaphore_mem>>)
      %dma_wait3A = arith.constant 0 : i32
      %dma_wait3A_236 = tpu.memref_slice %arg11[%dma_wait3A] : memref<544xi32, #tpu.memory_space<vmem>> -> memref<512xi32, #tpu.memory_space<vmem>>
      %dma_wait3A_237 = tpu.memref_slice %arg3[%mul3A_2] : memref<16384xi32, #tpu.memory_space<hbm>> -> memref<512xi32, #tpu.memory_space<hbm>>
      %dma_wait3A_238 = arith.constant 0 : i32
      %dma_wait3A_239 = tpu.memref_slice %arg11[%dma_wait3A_238] : memref<544xi32, #tpu.memory_space<vmem>> -> memref<512xi32, #tpu.memory_space<vmem>>
      %dma_wait3A_240 = tpu.memref_slice %arg3[%mul3A_2] : memref<16384xi32, #tpu.memory_space<hbm>> -> memref<512xi32, #tpu.memory_space<hbm>>
      tpu.wait_dma2 semaphore(%run_scoped3A : memref<!tpu.dma_semaphore, #tpu.memory_space<semaphore_mem>>) src(%dma_wait3A_240 : memref<512xi32, #tpu.memory_space<hbm>>) dst(%dma_wait3A_239 : memref<512xi32, #tpu.memory_space<vmem>>)
      tpu.yield
    }) : () -> ()
    "tpu.region"() ({
      %run_scoped3A = tpu.sem_alloc : memref<!tpu.dma_semaphore, #tpu.memory_space<semaphore_mem>>
      %dma_start3A_230 = arith.constant 0 : i32
      %dma_start3A_231 = tpu.memref_slice %arg22[%dma_start3A_230] : memref<16xf32, #tpu.memory_space<vmem>> -> memref<1xf32, #tpu.memory_space<vmem>>
      %dma_start3A_232 = arith.constant 0 : i32
      %dma_start3A_233 = tpu.memref_slice %arg22[%dma_start3A_232] : memref<16xf32, #tpu.memory_space<vmem>> -> memref<1xf32, #tpu.memory_space<vmem>>
      tpu.enqueue_dma source(%arg8 : memref<1xf32, #tpu.memory_space<hbm>>) target(%dma_start3A_233 : memref<1xf32, #tpu.memory_space<vmem>>) target_semaphore(%run_scoped3A : memref<!tpu.dma_semaphore, #tpu.memory_space<semaphore_mem>>)
      %dma_wait3A = arith.constant 0 : i32
      %dma_wait3A_234 = tpu.memref_slice %arg22[%dma_wait3A] : memref<16xf32, #tpu.memory_space<vmem>> -> memref<1xf32, #tpu.memory_space<vmem>>
      %dma_wait3A_235 = arith.constant 0 : i32
      %dma_wait3A_236 = tpu.memref_slice %arg22[%dma_wait3A_235] : memref<16xf32, #tpu.memory_space<vmem>> -> memref<1xf32, #tpu.memory_space<vmem>>
      tpu.wait_dma2 semaphore(%run_scoped3A : memref<!tpu.dma_semaphore, #tpu.memory_space<semaphore_mem>>) src(%arg8 : memref<1xf32, #tpu.memory_space<hbm>>) dst(%dma_wait3A_236 : memref<1xf32, #tpu.memory_space<vmem>>)
      tpu.yield
    }) : () -> ()
    %get3A = arith.constant 0 : index
    %get3A_3 = tpu.vector_load %arg22[%get3A] {strides = array<i32>} : memref<16xf32, #tpu.memory_space<vmem>>, vector<16xf32>,
    %slice3A = vector.extract_strided_slice %get3A_3 {offsets = [0], sizes = [1], strides = [1]} : vector<16xf32> to vector<1xf32>
    %squeeze3A = vector.extract %slice3A[0] : f32 from vector<1xf32>
    %mul3A_4 = arith.constant 6.250000e-02 : f32
    %mul3A_5 = arith.mulf %squeeze3A, %mul3A_4 : f32
    %iota3A = tpu.iota {dimensions = array<i32: 0>} : vector<16xi32>
    %get3A_6 = arith.constant 0 : index
    %get3A_7 = tpu.vector_load %arg10[%get3A_6] {strides = array<i32>} : memref<544xi32, #tpu.memory_space<vmem>>, vector<16xi32>,
    %get3A_8 = arith.constant 0 : index
    %get3A_9 = tpu.vector_load %arg11[%get3A_8] {strides = array<i32>} : memref<544xi32, #tpu.memory_space<vmem>>, vector<16xi32>,
    %slice3A_10 = vector.extract_strided_slice %get3A_7 {offsets = [0], sizes = [1], strides = [1]} : vector<16xi32> to vector<1xi32>
    %squeeze3A_11 = vector.extract %slice3A_10[0] : i32 from vector<1xi32>
    %slice3A_12 = vector.extract_strided_slice %get3A_9 {offsets = [0], sizes = [1], strides = [1]} : vector<16xi32> to vector<1xi32>
    %squeeze3A_13 = vector.extract %slice3A_12[0] : i32 from vector<1xi32>
    %shift_right_logical3A = arith.constant 7 : i32
    %shift_right_logical3A_14 = arith.shrui %squeeze3A_11, %shift_right_logical3A : i32
    %mul3A_15 = arith.constant 128 : i32
    %mul3A_16 = arith.muli %shift_right_logical3A_14, %mul3A_15 : i32
    %multiple_of3A = tpu.assume_multiple %mul3A_16, 128 : i32
    %shift_right_logical3A_17 = arith.constant 7 : i32
    %shift_right_logical3A_18 = arith.shrui %squeeze3A_13, %shift_right_logical3A_17 : i32
    %mul3A_19 = arith.constant 128 : i32
    %mul3A_20 = arith.muli %shift_right_logical3A_18, %mul3A_19 : i32
    %multiple_of3A_21 = tpu.assume_multiple %mul3A_20, 128 : i32
    %dma_start3A = arith.constant 0 : i32
    %dma_start3A_22 = arith.constant 0 : i32
    %dma_start3A_23 = arith.constant 0 : i32
    %dma_start3A_24 = tpu.memref_slice %arg12[%dma_start3A, %dma_start3A_22, %dma_start3A_23] : memref<2x64x128xf32, #tpu.memory_space<vmem>> -> memref<1x64x128xf32, #tpu.memory_space<vmem>>
    %dma_start3A_25 = tpu.memref_squeeze %dma_start3A_24 : memref<1x64x128xf32, #tpu.memory_space<vmem>> -> memref<64x128xf32, #tpu.memory_space<vmem>>
    %dma_start3A_26 = arith.constant 0 : i32
    %dma_start3A_27 = tpu.memref_slice %arg4[%dma_start3A_26, %multiple_of3A] : memref<64x1000000xf32, #tpu.memory_space<hbm>> -> memref<64x128xf32, #tpu.memory_space<hbm>>
    %dma_start3A_28 = arith.constant 0 : i32
    %dma_start3A_29 = arith.constant 0 : i32
    %dma_start3A_30 = tpu.memref_slice %arg12[%dma_start3A, %dma_start3A_28, %dma_start3A_29] : memref<2x64x128xf32, #tpu.memory_space<vmem>> -> memref<1x64x128xf32, #tpu.memory_space<vmem>>
    %dma_start3A_31 = tpu.memref_squeeze %dma_start3A_30 : memref<1x64x128xf32, #tpu.memory_space<vmem>> -> memref<64x128xf32, #tpu.memory_space<vmem>>
    %dma_start3A_32 = arith.constant 0 : i32
    %dma_start3A_33 = tpu.memref_slice %arg4[%dma_start3A_32, %multiple_of3A] : memref<64x1000000xf32, #tpu.memory_space<hbm>> -> memref<64x128xf32, #tpu.memory_space<hbm>>
    tpu.enqueue_dma source(%dma_start3A_33 : memref<64x128xf32, #tpu.memory_space<hbm>>) target(%dma_start3A_31 : memref<64x128xf32, #tpu.memory_space<vmem>>) target_semaphore(%arg23 : memref<!tpu.dma_semaphore, #tpu.memory_space<semaphore_mem>>)
    %dma_start3A_34 = arith.constant 0 : i32
    %dma_start3A_35 = arith.constant 0 : i32
    %dma_start3A_36 = arith.constant 0 : i32
    %dma_start3A_37 = tpu.memref_slice %arg13[%dma_start3A_34, %dma_start3A_35, %dma_start3A_36] : memref<2x64x128xf32, #tpu.memory_space<vmem>> -> memref<1x64x128xf32, #tpu.memory_space<vmem>>
    %dma_start3A_38 = tpu.memref_squeeze %dma_start3A_37 : memref<1x64x128xf32, #tpu.memory_space<vmem>> -> memref<64x128xf32, #tpu.memory_space<vmem>>
    %dma_start3A_39 = arith.constant 0 : i32
    %dma_start3A_40 = tpu.memref_slice %arg6[%dma_start3A_39, %multiple_of3A_21] : memref<64x1000000xf32, #tpu.memory_space<hbm>> -> memref<64x128xf32, #tpu.memory_space<hbm>>
    %dma_start3A_41 = arith.constant 0 : i32
    %dma_start3A_42 = arith.constant 0 : i32
    %dma_start3A_43 = tpu.memref_slice %arg13[%dma_start3A_34, %dma_start3A_41, %dma_start3A_42] : memref<2x64x128xf32, #tpu.memory_space<vmem>> -> memref<1x64x128xf32, #tpu.memory_space<vmem>>
    %dma_start3A_44 = tpu.memref_squeeze %dma_start3A_43 : memref<1x64x128xf32, #tpu.memory_space<vmem>> -> memref<64x128xf32, #tpu.memory_space<vmem>>
    %dma_start3A_45 = arith.constant 0 : i32
    %dma_start3A_46 = tpu.memref_slice %arg6[%dma_start3A_45, %multiple_of3A_21] : memref<64x1000000xf32, #tpu.memory_space<hbm>> -> memref<64x128xf32, #tpu.memory_space<hbm>>
    tpu.enqueue_dma source(%dma_start3A_46 : memref<64x128xf32, #tpu.memory_space<hbm>>) target(%dma_start3A_44 : memref<64x128xf32, #tpu.memory_space<vmem>>) target_semaphore(%arg23 : memref<!tpu.dma_semaphore, #tpu.memory_space<semaphore_mem>>)
    %dma_start3A_47 = arith.constant 0 : i32
    %dma_start3A_48 = tpu.memref_slice %arg16[%dma_start3A_47] : memref<256xf32, #tpu.memory_space<vmem>> -> memref<128xf32, #tpu.memory_space<vmem>>
    %dma_start3A_49 = tpu.memref_slice %arg5[%multiple_of3A] : memref<1000000xf32, #tpu.memory_space<hbm>> -> memref<128xf32, #tpu.memory_space<hbm>>
    %dma_start3A_50 = arith.constant 0 : i32
    %dma_start3A_51 = tpu.memref_slice %arg16[%dma_start3A_50] : memref<256xf32, #tpu.memory_space<vmem>> -> memref<128xf32, #tpu.memory_space<vmem>>
    %dma_start3A_52 = tpu.memref_slice %arg5[%multiple_of3A] : memref<1000000xf32, #tpu.memory_space<hbm>> -> memref<128xf32, #tpu.memory_space<hbm>>
    tpu.enqueue_dma source(%dma_start3A_52 : memref<128xf32, #tpu.memory_space<hbm>>) target(%dma_start3A_51 : memref<128xf32, #tpu.memory_space<vmem>>) target_semaphore(%arg23 : memref<!tpu.dma_semaphore, #tpu.memory_space<semaphore_mem>>)
    %dma_start3A_53 = arith.constant 0 : i32
    %dma_start3A_54 = tpu.memref_slice %arg17[%dma_start3A_53] : memref<256xf32, #tpu.memory_space<vmem>> -> memref<128xf32, #tpu.memory_space<vmem>>
    %dma_start3A_55 = tpu.memref_slice %arg7[%multiple_of3A_21] : memref<1000000xf32, #tpu.memory_space<hbm>> -> memref<128xf32, #tpu.memory_space<hbm>>
    %dma_start3A_56 = arith.constant 0 : i32
    %dma_start3A_57 = tpu.memref_slice %arg17[%dma_start3A_56] : memref<256xf32, #tpu.memory_space<vmem>> -> memref<128xf32, #tpu.memory_space<vmem>>
    %dma_start3A_58 = tpu.memref_slice %arg7[%multiple_of3A_21] : memref<1000000xf32, #tpu.memory_space<hbm>> -> memref<128xf32, #tpu.memory_space<hbm>>
    tpu.enqueue_dma source(%dma_start3A_58 : memref<128xf32, #tpu.memory_space<hbm>>) target(%dma_start3A_57 : memref<128xf32, #tpu.memory_space<vmem>>) target_semaphore(%arg23 : memref<!tpu.dma_semaphore, #tpu.memory_space<semaphore_mem>>)
    %slice3A_59 = vector.extract_strided_slice %get3A_7 {offsets = [1], sizes = [1], strides = [1]} : vector<16xi32> to vector<1xi32>
    %squeeze3A_60 = vector.extract %slice3A_59[0] : i32 from vector<1xi32>
    %slice3A_61 = vector.extract_strided_slice %get3A_9 {offsets = [1], sizes = [1], strides = [1]} : vector<16xi32> to vector<1xi32>
    %squeeze3A_62 = vector.extract %slice3A_61[0] : i32 from vector<1xi32>
    %shift_right_logical3A_63 = arith.constant 7 : i32
    %shift_right_logical3A_64 = arith.shrui %squeeze3A_60, %shift_right_logical3A_63 : i32
    %mul3A_65 = arith.constant 128 : i32
    %mul3A_66 = arith.muli %shift_right_logical3A_64, %mul3A_65 : i32
    %multiple_of3A_67 = tpu.assume_multiple %mul3A_66, 128 : i32
    %shift_right_logical3A_68 = arith.constant 7 : i32
    %shift_right_logical3A_69 = arith.shrui %squeeze3A_62, %shift_right_logical3A_68 : i32
    %mul3A_70 = arith.constant 128 : i32
    %mul3A_71 = arith.muli %shift_right_logical3A_69, %mul3A_70 : i32
    %multiple_of3A_72 = tpu.assume_multiple %mul3A_71, 128 : i32
    %dma_start3A_73 = arith.constant 1 : i32
    %dma_start3A_74 = arith.constant 0 : i32
    %dma_start3A_75 = arith.constant 0 : i32
    %dma_start3A_76 = tpu.memref_slice %arg12[%dma_start3A_73, %dma_start3A_74, %dma_start3A_75] : memref<2x64x128xf32, #tpu.memory_space<vmem>> -> memref<1x64x128xf32, #tpu.memory_space<vmem>>
    %dma_start3A_77 = tpu.memref_squeeze %dma_start3A_76 : memref<1x64x128xf32, #tpu.memory_space<vmem>> -> memref<64x128xf32, #tpu.memory_space<vmem>>
    %dma_start3A_78 = arith.constant 0 : i32
    %dma_start3A_79 = tpu.memref_slice %arg4[%dma_start3A_78, %multiple_of3A_67] : memref<64x1000000xf32, #tpu.memory_space<hbm>> -> memref<64x128xf32, #tpu.memory_space<hbm>>
    %dma_start3A_80 = arith.constant 0 : i32
    %dma_start3A_81 = arith.constant 0 : i32
    %dma_start3A_82 = tpu.memref_slice %arg12[%dma_start3A_73, %dma_start3A_80, %dma_start3A_81] : memref<2x64x128xf32, #tpu.memory_space<vmem>> -> memref<1x64x128xf32, #tpu.memory_space<vmem>>
    %dma_start3A_83 = tpu.memref_squeeze %dma_start3A_82 : memref<1x64x128xf32, #tpu.memory_space<vmem>> -> memref<64x128xf32, #tpu.memory_space<vmem>>
    %dma_start3A_84 = arith.constant 0 : i32
    %dma_start3A_85 = tpu.memref_slice %arg4[%dma_start3A_84, %multiple_of3A_67] : memref<64x1000000xf32, #tpu.memory_space<hbm>> -> memref<64x128xf32, #tpu.memory_space<hbm>>
    tpu.enqueue_dma source(%dma_start3A_85 : memref<64x128xf32, #tpu.memory_space<hbm>>) target(%dma_start3A_83 : memref<64x128xf32, #tpu.memory_space<vmem>>) target_semaphore(%arg23 : memref<!tpu.dma_semaphore, #tpu.memory_space<semaphore_mem>>)
    %dma_start3A_86 = arith.constant 1 : i32
    %dma_start3A_87 = arith.constant 0 : i32
    %dma_start3A_88 = arith.constant 0 : i32
    %dma_start3A_89 = tpu.memref_slice %arg13[%dma_start3A_86, %dma_start3A_87, %dma_start3A_88] : memref<2x64x128xf32, #tpu.memory_space<vmem>> -> memref<1x64x128xf32, #tpu.memory_space<vmem>>
    %dma_start3A_90 = tpu.memref_squeeze %dma_start3A_89 : memref<1x64x128xf32, #tpu.memory_space<vmem>> -> memref<64x128xf32, #tpu.memory_space<vmem>>
    %dma_start3A_91 = arith.constant 0 : i32
    %dma_start3A_92 = tpu.memref_slice %arg6[%dma_start3A_91, %multiple_of3A_72] : memref<64x1000000xf32, #tpu.memory_space<hbm>> -> memref<64x128xf32, #tpu.memory_space<hbm>>
    %dma_start3A_93 = arith.constant 0 : i32
    %dma_start3A_94 = arith.constant 0 : i32
    %dma_start3A_95 = tpu.memref_slice %arg13[%dma_start3A_86, %dma_start3A_93, %dma_start3A_94] : memref<2x64x128xf32, #tpu.memory_space<vmem>> -> memref<1x64x128xf32, #tpu.memory_space<vmem>>
    %dma_start3A_96 = tpu.memref_squeeze %dma_start3A_95 : memref<1x64x128xf32, #tpu.memory_space<vmem>> -> memref<64x128xf32, #tpu.memory_space<vmem>>
    %dma_start3A_97 = arith.constant 0 : i32
    %dma_start3A_98 = tpu.memref_slice %arg6[%dma_start3A_97, %multiple_of3A_72] : memref<64x1000000xf32, #tpu.memory_space<hbm>> -> memref<64x128xf32, #tpu.memory_space<hbm>>
    tpu.enqueue_dma source(%dma_start3A_98 : memref<64x128xf32, #tpu.memory_space<hbm>>) target(%dma_start3A_96 : memref<64x128xf32, #tpu.memory_space<vmem>>) target_semaphore(%arg23 : memref<!tpu.dma_semaphore, #tpu.memory_space<semaphore_mem>>)
    %dma_start3A_99 = arith.constant 128 : i32
    %dma_start3A_100 = tpu.memref_slice %arg16[%dma_start3A_99] : memref<256xf32, #tpu.memory_space<vmem>> -> memref<128xf32, #tpu.memory_space<vmem>>
    %dma_start3A_101 = tpu.memref_slice %arg5[%multiple_of3A_67] : memref<1000000xf32, #tpu.memory_space<hbm>> -> memref<128xf32, #tpu.memory_space<hbm>>
    %dma_start3A_102 = arith.constant 128 : i32
    %dma_start3A_103 = tpu.memref_slice %arg16[%dma_start3A_102] : memref<256xf32, #tpu.memory_space<vmem>> -> memref<128xf32, #tpu.memory_space<vmem>>
    %dma_start3A_104 = tpu.memref_slice %arg5[%multiple_of3A_67] : memref<1000000xf32, #tpu.memory_space<hbm>> -> memref<128xf32, #tpu.memory_space<hbm>>
    tpu.enqueue_dma source(%dma_start3A_104 : memref<128xf32, #tpu.memory_space<hbm>>) target(%dma_start3A_103 : memref<128xf32, #tpu.memory_space<vmem>>) target_semaphore(%arg23 : memref<!tpu.dma_semaphore, #tpu.memory_space<semaphore_mem>>)
    %dma_start3A_105 = arith.constant 128 : i32
    %dma_start3A_106 = tpu.memref_slice %arg17[%dma_start3A_105] : memref<256xf32, #tpu.memory_space<vmem>> -> memref<128xf32, #tpu.memory_space<vmem>>
    %dma_start3A_107 = tpu.memref_slice %arg7[%multiple_of3A_72] : memref<1000000xf32, #tpu.memory_space<hbm>> -> memref<128xf32, #tpu.memory_space<hbm>>
    %dma_start3A_108 = arith.constant 128 : i32
    %dma_start3A_109 = tpu.memref_slice %arg17[%dma_start3A_108] : memref<256xf32, #tpu.memory_space<vmem>> -> memref<128xf32, #tpu.memory_space<vmem>>
    %dma_start3A_110 = tpu.memref_slice %arg7[%multiple_of3A_72] : memref<1000000xf32, #tpu.memory_space<hbm>> -> memref<128xf32, #tpu.memory_space<hbm>>
    tpu.enqueue_dma source(%dma_start3A_110 : memref<128xf32, #tpu.memory_space<hbm>>) target(%dma_start3A_109 : memref<128xf32, #tpu.memory_space<vmem>>) target_semaphore(%arg23 : memref<!tpu.dma_semaphore, #tpu.memory_space<semaphore_mem>>)
    %get3A_111 = arith.constant 2 : index
    %get3A_112 = tpu.vector_load %arg10[%get3A_111] {strides = array<i32>} : memref<544xi32, #tpu.memory_space<vmem>>, vector<16xi32>,
    %get3A_113 = arith.constant 2 : index
    %get3A_114 = tpu.vector_load %arg11[%get3A_113] {strides = array<i32>} : memref<544xi32, #tpu.memory_space<vmem>>, vector<16xi32>,
    %slice3A_115 = vector.extract_strided_slice %get3A_112 {offsets = [0], sizes = [1], strides = [1]} : vector<16xi32> to vector<1xi32>
    %squeeze3A_116 = vector.extract %slice3A_115[0] : i32 from vector<1xi32>
    %slice3A_117 = vector.extract_strided_slice %get3A_114 {offsets = [0], sizes = [1], strides = [1]} : vector<16xi32> to vector<1xi32>
    %squeeze3A_118 = vector.extract %slice3A_117[0] : i32 from vector<1xi32>
    %shift_right_logical3A_119 = arith.constant 7 : i32
    %shift_right_logical3A_120 = arith.shrui %squeeze3A_116, %shift_right_logical3A_119 : i32
    %mul3A_121 = arith.constant 128 : i32
    %mul3A_122 = arith.muli %shift_right_logical3A_120, %mul3A_121 : i32
    %multiple_of3A_123 = tpu.assume_multiple %mul3A_122, 128 : i32
    %shift_right_logical3A_124 = arith.constant 7 : i32
    %shift_right_logical3A_125 = arith.shrui %squeeze3A_118, %shift_right_logical3A_124 : i32
    %mul3A_126 = arith.constant 128 : i32
    %mul3A_127 = arith.muli %shift_right_logical3A_125, %mul3A_126 : i32
    %multiple_of3A_128 = tpu.assume_multiple %mul3A_127, 128 : i32
    %dma_start3A_129 = arith.constant 0 : i32
    %dma_start3A_130 = arith.constant 0 : i32
    %dma_start3A_131 = arith.constant 0 : i32
    %dma_start3A_132 = tpu.memref_slice %arg14[%dma_start3A_129, %dma_start3A_130, %dma_start3A_131] : memref<2x64x128xf32, #tpu.memory_space<vmem>> -> memref<1x64x128xf32, #tpu.memory_space<vmem>>
    %dma_start3A_133 = tpu.memref_squeeze %dma_start3A_132 : memref<1x64x128xf32, #tpu.memory_space<vmem>> -> memref<64x128xf32, #tpu.memory_space<vmem>>
    %dma_start3A_134 = arith.constant 0 : i32
    %dma_start3A_135 = tpu.memref_slice %arg4[%dma_start3A_134, %multiple_of3A_123] : memref<64x1000000xf32, #tpu.memory_space<hbm>> -> memref<64x128xf32, #tpu.memory_space<hbm>>
    %dma_start3A_136 = arith.constant 0 : i32
    %dma_start3A_137 = arith.constant 0 : i32
    %dma_start3A_138 = tpu.memref_slice %arg14[%dma_start3A_129, %dma_start3A_136, %dma_start3A_137] : memref<2x64x128xf32, #tpu.memory_space<vmem>> -> memref<1x64x128xf32, #tpu.memory_space<vmem>>
    %dma_start3A_139 = tpu.memref_squeeze %dma_start3A_138 : memref<1x64x128xf32, #tpu.memory_space<vmem>> -> memref<64x128xf32, #tpu.memory_space<vmem>>
    %dma_start3A_140 = arith.constant 0 : i32
    %dma_start3A_141 = tpu.memref_slice %arg4[%dma_start3A_140, %multiple_of3A_123] : memref<64x1000000xf32, #tpu.memory_space<hbm>> -> memref<64x128xf32, #tpu.memory_space<hbm>>
    tpu.enqueue_dma source(%dma_start3A_141 : memref<64x128xf32, #tpu.memory_space<hbm>>) target(%dma_start3A_139 : memref<64x128xf32, #tpu.memory_space<vmem>>) target_semaphore(%arg24 : memref<!tpu.dma_semaphore, #tpu.memory_space<semaphore_mem>>)
    %dma_start3A_142 = arith.constant 0 : i32
    %dma_start3A_143 = arith.constant 0 : i32
    %dma_start3A_144 = arith.constant 0 : i32
    %dma_start3A_145 = tpu.memref_slice %arg15[%dma_start3A_142, %dma_start3A_143, %dma_start3A_144] : memref<2x64x128xf32, #tpu.memory_space<vmem>> -> memref<1x64x128xf32, #tpu.memory_space<vmem>>
    %dma_start3A_146 = tpu.memref_squeeze %dma_start3A_145 : memref<1x64x128xf32, #tpu.memory_space<vmem>> -> memref<64x128xf32, #tpu.memory_space<vmem>>
    %dma_start3A_147 = arith.constant 0 : i32
    %dma_start3A_148 = tpu.memref_slice %arg6[%dma_start3A_147, %multiple_of3A_128] : memref<64x1000000xf32, #tpu.memory_space<hbm>> -> memref<64x128xf32, #tpu.memory_space<hbm>>
    %dma_start3A_149 = arith.constant 0 : i32
    %dma_start3A_150 = arith.constant 0 : i32
    %dma_start3A_151 = tpu.memref_slice %arg15[%dma_start3A_142, %dma_start3A_149, %dma_start3A_150] : memref<2x64x128xf32, #tpu.memory_space<vmem>> -> memref<1x64x128xf32, #tpu.memory_space<vmem>>
    %dma_start3A_152 = tpu.memref_squeeze %dma_start3A_151 : memref<1x64x128xf32, #tpu.memory_space<vmem>> -> memref<64x128xf32, #tpu.memory_space<vmem>>
    %dma_start3A_153 = arith.constant 0 : i32
    %dma_start3A_154 = tpu.memref_slice %arg6[%dma_start3A_153, %multiple_of3A_128] : memref<64x1000000xf32, #tpu.memory_space<hbm>> -> memref<64x128xf32, #tpu.memory_space<hbm>>
    tpu.enqueue_dma source(%dma_start3A_154 : memref<64x128xf32, #tpu.memory_space<hbm>>) target(%dma_start3A_152 : memref<64x128xf32, #tpu.memory_space<vmem>>) target_semaphore(%arg24 : memref<!tpu.dma_semaphore, #tpu.memory_space<semaphore_mem>>)
    %dma_start3A_155 = arith.constant 0 : i32
    %dma_start3A_156 = tpu.memref_slice %arg18[%dma_start3A_155] : memref<256xf32, #tpu.memory_space<vmem>> -> memref<128xf32, #tpu.memory_space<vmem>>
    %dma_start3A_157 = tpu.memref_slice %arg5[%multiple_of3A_123] : memref<1000000xf32, #tpu.memory_space<hbm>> -> memref<128xf32, #tpu.memory_space<hbm>>
    %dma_start3A_158 = arith.constant 0 : i32
    %dma_start3A_159 = tpu.memref_slice %arg18[%dma_start3A_158] : memref<256xf32, #tpu.memory_space<vmem>> -> memref<128xf32, #tpu.memory_space<vmem>>
    %dma_start3A_160 = tpu.memref_slice %arg5[%multiple_of3A_123] : memref<1000000xf32, #tpu.memory_space<hbm>> -> memref<128xf32, #tpu.memory_space<hbm>>
    tpu.enqueue_dma source(%dma_start3A_160 : memref<128xf32, #tpu.memory_space<hbm>>) target(%dma_start3A_159 : memref<128xf32, #tpu.memory_space<vmem>>) target_semaphore(%arg24 : memref<!tpu.dma_semaphore, #tpu.memory_space<semaphore_mem>>)
    %dma_start3A_161 = arith.constant 0 : i32
    %dma_start3A_162 = tpu.memref_slice %arg19[%dma_start3A_161] : memref<256xf32, #tpu.memory_space<vmem>> -> memref<128xf32, #tpu.memory_space<vmem>>
    %dma_start3A_163 = tpu.memref_slice %arg7[%multiple_of3A_128] : memref<1000000xf32, #tpu.memory_space<hbm>> -> memref<128xf32, #tpu.memory_space<hbm>>
    %dma_start3A_164 = arith.constant 0 : i32
    %dma_start3A_165 = tpu.memref_slice %arg19[%dma_start3A_164] : memref<256xf32, #tpu.memory_space<vmem>> -> memref<128xf32, #tpu.memory_space<vmem>>
    %dma_start3A_166 = tpu.memref_slice %arg7[%multiple_of3A_128] : memref<1000000xf32, #tpu.memory_space<hbm>> -> memref<128xf32, #tpu.memory_space<hbm>>
    tpu.enqueue_dma source(%dma_start3A_166 : memref<128xf32, #tpu.memory_space<hbm>>) target(%dma_start3A_165 : memref<128xf32, #tpu.memory_space<vmem>>) target_semaphore(%arg24 : memref<!tpu.dma_semaphore, #tpu.memory_space<semaphore_mem>>)
    %slice3A_167 = vector.extract_strided_slice %get3A_112 {offsets = [1], sizes = [1], strides = [1]} : vector<16xi32> to vector<1xi32>
    %squeeze3A_168 = vector.extract %slice3A_167[0] : i32 from vector<1xi32>
    %slice3A_169 = vector.extract_strided_slice %get3A_114 {offsets = [1], sizes = [1], strides = [1]} : vector<16xi32> to vector<1xi32>
    %squeeze3A_170 = vector.extract %slice3A_169[0] : i32 from vector<1xi32>
    %shift_right_logical3A_171 = arith.constant 7 : i32
    %shift_right_logical3A_172 = arith.shrui %squeeze3A_168, %shift_right_logical3A_171 : i32
    %mul3A_173 = arith.constant 128 : i32
    %mul3A_174 = arith.muli %shift_right_logical3A_172, %mul3A_173 : i32
    %multiple_of3A_175 = tpu.assume_multiple %mul3A_174, 128 : i32
    %shift_right_logical3A_176 = arith.constant 7 : i32
    %shift_right_logical3A_177 = arith.shrui %squeeze3A_170, %shift_right_logical3A_176 : i32
    %mul3A_178 = arith.constant 128 : i32
    %mul3A_179 = arith.muli %shift_right_logical3A_177, %mul3A_178 : i32
    %multiple_of3A_180 = tpu.assume_multiple %mul3A_179, 128 : i32
    %dma_start3A_181 = arith.constant 1 : i32
    %dma_start3A_182 = arith.constant 0 : i32
    %dma_start3A_183 = arith.constant 0 : i32
    %dma_start3A_184 = tpu.memref_slice %arg14[%dma_start3A_181, %dma_start3A_182, %dma_start3A_183] : memref<2x64x128xf32, #tpu.memory_space<vmem>> -> memref<1x64x128xf32, #tpu.memory_space<vmem>>
    %dma_start3A_185 = tpu.memref_squeeze %dma_start3A_184 : memref<1x64x128xf32, #tpu.memory_space<vmem>> -> memref<64x128xf32, #tpu.memory_space<vmem>>
    %dma_start3A_186 = arith.constant 0 : i32
    %dma_start3A_187 = tpu.memref_slice %arg4[%dma_start3A_186, %multiple_of3A_175] : memref<64x1000000xf32, #tpu.memory_space<hbm>> -> memref<64x128xf32, #tpu.memory_space<hbm>>
    %dma_start3A_188 = arith.constant 0 : i32
    %dma_start3A_189 = arith.constant 0 : i32
    %dma_start3A_190 = tpu.memref_slice %arg14[%dma_start3A_181, %dma_start3A_188, %dma_start3A_189] : memref<2x64x128xf32, #tpu.memory_space<vmem>> -> memref<1x64x128xf32, #tpu.memory_space<vmem>>
    %dma_start3A_191 = tpu.memref_squeeze %dma_start3A_190 : memref<1x64x128xf32, #tpu.memory_space<vmem>> -> memref<64x128xf32, #tpu.memory_space<vmem>>
    %dma_start3A_192 = arith.constant 0 : i32
    %dma_start3A_193 = tpu.memref_slice %arg4[%dma_start3A_192, %multiple_of3A_175] : memref<64x1000000xf32, #tpu.memory_space<hbm>> -> memref<64x128xf32, #tpu.memory_space<hbm>>
    tpu.enqueue_dma source(%dma_start3A_193 : memref<64x128xf32, #tpu.memory_space<hbm>>) target(%dma_start3A_191 : memref<64x128xf32, #tpu.memory_space<vmem>>) target_semaphore(%arg24 : memref<!tpu.dma_semaphore, #tpu.memory_space<semaphore_mem>>)
    %dma_start3A_194 = arith.constant 1 : i32
    %dma_start3A_195 = arith.constant 0 : i32
    %dma_start3A_196 = arith.constant 0 : i32
    %dma_start3A_197 = tpu.memref_slice %arg15[%dma_start3A_194, %dma_start3A_195, %dma_start3A_196] : memref<2x64x128xf32, #tpu.memory_space<vmem>> -> memref<1x64x128xf32, #tpu.memory_space<vmem>>
    %dma_start3A_198 = tpu.memref_squeeze %dma_start3A_197 : memref<1x64x128xf32, #tpu.memory_space<vmem>> -> memref<64x128xf32, #tpu.memory_space<vmem>>
    %dma_start3A_199 = arith.constant 0 : i32
    %dma_start3A_200 = tpu.memref_slice %arg6[%dma_start3A_199, %multiple_of3A_180] : memref<64x1000000xf32, #tpu.memory_space<hbm>> -> memref<64x128xf32, #tpu.memory_space<hbm>>
    %dma_start3A_201 = arith.constant 0 : i32
    %dma_start3A_202 = arith.constant 0 : i32
    %dma_start3A_203 = tpu.memref_slice %arg15[%dma_start3A_194, %dma_start3A_201, %dma_start3A_202] : memref<2x64x128xf32, #tpu.memory_space<vmem>> -> memref<1x64x128xf32, #tpu.memory_space<vmem>>
    %dma_start3A_204 = tpu.memref_squeeze %dma_start3A_203 : memref<1x64x128xf32, #tpu.memory_space<vmem>> -> memref<64x128xf32, #tpu.memory_space<vmem>>
    %dma_start3A_205 = arith.constant 0 : i32
    %dma_start3A_206 = tpu.memref_slice %arg6[%dma_start3A_205, %multiple_of3A_180] : memref<64x1000000xf32, #tpu.memory_space<hbm>> -> memref<64x128xf32, #tpu.memory_space<hbm>>
    tpu.enqueue_dma source(%dma_start3A_206 : memref<64x128xf32, #tpu.memory_space<hbm>>) target(%dma_start3A_204 : memref<64x128xf32, #tpu.memory_space<vmem>>) target_semaphore(%arg24 : memref<!tpu.dma_semaphore, #tpu.memory_space<semaphore_mem>>)
    %dma_start3A_207 = arith.constant 128 : i32
    %dma_start3A_208 = tpu.memref_slice %arg18[%dma_start3A_207] : memref<256xf32, #tpu.memory_space<vmem>> -> memref<128xf32, #tpu.memory_space<vmem>>
    %dma_start3A_209 = tpu.memref_slice %arg5[%multiple_of3A_175] : memref<1000000xf32, #tpu.memory_space<hbm>> -> memref<128xf32, #tpu.memory_space<hbm>>
    %dma_start3A_210 = arith.constant 128 : i32
    %dma_start3A_211 = tpu.memref_slice %arg18[%dma_start3A_210] : memref<256xf32, #tpu.memory_space<vmem>> -> memref<128xf32, #tpu.memory_space<vmem>>
    %dma_start3A_212 = tpu.memref_slice %arg5[%multiple_of3A_175] : memref<1000000xf32, #tpu.memory_space<hbm>> -> memref<128xf32, #tpu.memory_space<hbm>>
    tpu.enqueue_dma source(%dma_start3A_212 : memref<128xf32, #tpu.memory_space<hbm>>) target(%dma_start3A_211 : memref<128xf32, #tpu.memory_space<vmem>>) target_semaphore(%arg24 : memref<!tpu.dma_semaphore, #tpu.memory_space<semaphore_mem>>)
    %dma_start3A_213 = arith.constant 128 : i32
    %dma_start3A_214 = tpu.memref_slice %arg19[%dma_start3A_213] : memref<256xf32, #tpu.memory_space<vmem>> -> memref<128xf32, #tpu.memory_space<vmem>>
    %dma_start3A_215 = tpu.memref_slice %arg7[%multiple_of3A_180] : memref<1000000xf32, #tpu.memory_space<hbm>> -> memref<128xf32, #tpu.memory_space<hbm>>
    %dma_start3A_216 = arith.constant 128 : i32
    %dma_start3A_217 = tpu.memref_slice %arg19[%dma_start3A_216] : memref<256xf32, #tpu.memory_space<vmem>> -> memref<128xf32, #tpu.memory_space<vmem>>
    %dma_start3A_218 = tpu.memref_slice %arg7[%multiple_of3A_180] : memref<1000000xf32, #tpu.memory_space<hbm>> -> memref<128xf32, #tpu.memory_space<hbm>>
    tpu.enqueue_dma source(%dma_start3A_218 : memref<128xf32, #tpu.memory_space<hbm>>) target(%dma_start3A_217 : memref<128xf32, #tpu.memory_space<vmem>>) target_semaphore(%arg24 : memref<!tpu.dma_semaphore, #tpu.memory_space<semaphore_mem>>)
    %scan3A = arith.constant 0 : i32
    %scan3A_219 = arith.constant 0 : i32
    %scan3A_220 = arith.constant 128 : i32
    %scan3A_221 = arith.addi %scan3A_219, %scan3A_220 : i32
    %scan3A_222 = arith.constant 1 : i32
    scf.for %scan3A_230 = %scan3A_219 to %scan3A_221 step %scan3A_222  : i32 {
      %mul3A_231 = arith.constant 4 : i32
      %mul3A_232 = arith.muli %scan3A_230, %mul3A_231 : i32
      %get3A_233 = arith.index_cast %mul3A_232 : i32 to index
      %get3A_234 = tpu.vector_load %arg10[%get3A_233] {strides = array<i32>} : memref<544xi32, #tpu.memory_space<vmem>>, vector<16xi32>,
      %get3A_235 = arith.index_cast %mul3A_232 : i32 to index
      %get3A_236 = tpu.vector_load %arg11[%get3A_235] {strides = array<i32>} : memref<544xi32, #tpu.memory_space<vmem>>, vector<16xi32>,
      %dma_wait3A = arith.constant 0 : i32
      %dma_wait3A_237 = arith.constant 0 : i32
      %dma_wait3A_238 = arith.constant 0 : i32
      %dma_wait3A_239 = tpu.memref_slice %arg12[%dma_wait3A, %dma_wait3A_237, %dma_wait3A_238] : memref<2x64x128xf32, #tpu.memory_space<vmem>> -> memref<1x64x128xf32, #tpu.memory_space<vmem>>
      %dma_wait3A_240 = tpu.memref_squeeze %dma_wait3A_239 : memref<1x64x128xf32, #tpu.memory_space<vmem>> -> memref<64x128xf32, #tpu.memory_space<vmem>>
      %dma_wait3A_241 = arith.constant 0 : i32
      %dma_wait3A_242 = arith.constant 0 : i32
      %dma_wait3A_243 = tpu.memref_slice %arg4[%dma_wait3A_241, %dma_wait3A_242] : memref<64x1000000xf32, #tpu.memory_space<hbm>> -> memref<64x128xf32, #tpu.memory_space<hbm>>
      %dma_wait3A_244 = arith.constant 0 : i32
      %dma_wait3A_245 = arith.constant 0 : i32
      %dma_wait3A_246 = tpu.memref_slice %arg12[%dma_wait3A, %dma_wait3A_244, %dma_wait3A_245] : memref<2x64x128xf32, #tpu.memory_space<vmem>> -> memref<1x64x128xf32, #tpu.memory_space<vmem>>
      %dma_wait3A_247 = tpu.memref_squeeze %dma_wait3A_246 : memref<1x64x128xf32, #tpu.memory_space<vmem>> -> memref<64x128xf32, #tpu.memory_space<vmem>>
      %dma_wait3A_248 = arith.constant 0 : i32
      %dma_wait3A_249 = arith.constant 0 : i32
      %dma_wait3A_250 = tpu.memref_slice %arg4[%dma_wait3A_248, %dma_wait3A_249] : memref<64x1000000xf32, #tpu.memory_space<hbm>> -> memref<64x128xf32, #tpu.memory_space<hbm>>
      tpu.wait_dma2 semaphore(%arg23 : memref<!tpu.dma_semaphore, #tpu.memory_space<semaphore_mem>>) src(%dma_wait3A_250 : memref<64x128xf32, #tpu.memory_space<hbm>>) dst(%dma_wait3A_247 : memref<64x128xf32, #tpu.memory_space<vmem>>)
      %dma_wait3A_251 = arith.constant 0 : i32
      %dma_wait3A_252 = arith.constant 0 : i32
      %dma_wait3A_253 = arith.constant 0 : i32
      %dma_wait3A_254 = tpu.memref_slice %arg13[%dma_wait3A_251, %dma_wait3A_252, %dma_wait3A_253] : memref<2x64x128xf32, #tpu.memory_space<vmem>> -> memref<1x64x128xf32, #tpu.memory_space<vmem>>
      %dma_wait3A_255 = tpu.memref_squeeze %dma_wait3A_254 : memref<1x64x128xf32, #tpu.memory_space<vmem>> -> memref<64x128xf32, #tpu.memory_space<vmem>>
      %dma_wait3A_256 = arith.constant 0 : i32
      %dma_wait3A_257 = arith.constant 0 : i32
      %dma_wait3A_258 = tpu.memref_slice %arg6[%dma_wait3A_256, %dma_wait3A_257] : memref<64x1000000xf32, #tpu.memory_space<hbm>> -> memref<64x128xf32, #tpu.memory_space<hbm>>
      %dma_wait3A_259 = arith.constant 0 : i32
      %dma_wait3A_260 = arith.constant 0 : i32
      %dma_wait3A_261 = tpu.memref_slice %arg13[%dma_wait3A_251, %dma_wait3A_259, %dma_wait3A_260] : memref<2x64x128xf32, #tpu.memory_space<vmem>> -> memref<1x64x128xf32, #tpu.memory_space<vmem>>
      %dma_wait3A_262 = tpu.memref_squeeze %dma_wait3A_261 : memref<1x64x128xf32, #tpu.memory_space<vmem>> -> memref<64x128xf32, #tpu.memory_space<vmem>>
      %dma_wait3A_263 = arith.constant 0 : i32
      %dma_wait3A_264 = arith.constant 0 : i32
      %dma_wait3A_265 = tpu.memref_slice %arg6[%dma_wait3A_263, %dma_wait3A_264] : memref<64x1000000xf32, #tpu.memory_space<hbm>> -> memref<64x128xf32, #tpu.memory_space<hbm>>
      tpu.wait_dma2 semaphore(%arg23 : memref<!tpu.dma_semaphore, #tpu.memory_space<semaphore_mem>>) src(%dma_wait3A_265 : memref<64x128xf32, #tpu.memory_space<hbm>>) dst(%dma_wait3A_262 : memref<64x128xf32, #tpu.memory_space<vmem>>)
      %dma_wait3A_266 = arith.constant 0 : i32
      %dma_wait3A_267 = tpu.memref_slice %arg16[%dma_wait3A_266] : memref<256xf32, #tpu.memory_space<vmem>> -> memref<128xf32, #tpu.memory_space<vmem>>
      %dma_wait3A_268 = arith.constant 0 : i32
      %dma_wait3A_269 = tpu.memref_slice %arg5[%dma_wait3A_268] : memref<1000000xf32, #tpu.memory_space<hbm>> -> memref<128xf32, #tpu.memory_space<hbm>>
      %dma_wait3A_270 = arith.constant 0 : i32
      %dma_wait3A_271 = tpu.memref_slice %arg16[%dma_wait3A_270] : memref<256xf32, #tpu.memory_space<vmem>> -> memref<128xf32, #tpu.memory_space<vmem>>
      %dma_wait3A_272 = arith.constant 0 : i32
      %dma_wait3A_273 = tpu.memref_slice %arg5[%dma_wait3A_272] : memref<1000000xf32, #tpu.memory_space<hbm>> -> memref<128xf32, #tpu.memory_space<hbm>>
      tpu.wait_dma2 semaphore(%arg23 : memref<!tpu.dma_semaphore, #tpu.memory_space<semaphore_mem>>) src(%dma_wait3A_273 : memref<128xf32, #tpu.memory_space<hbm>>) dst(%dma_wait3A_271 : memref<128xf32, #tpu.memory_space<vmem>>)
      %dma_wait3A_274 = arith.constant 0 : i32
      %dma_wait3A_275 = tpu.memref_slice %arg17[%dma_wait3A_274] : memref<256xf32, #tpu.memory_space<vmem>> -> memref<128xf32, #tpu.memory_space<vmem>>
      %dma_wait3A_276 = arith.constant 0 : i32
      %dma_wait3A_277 = tpu.memref_slice %arg7[%dma_wait3A_276] : memref<1000000xf32, #tpu.memory_space<hbm>> -> memref<128xf32, #tpu.memory_space<hbm>>
      %dma_wait3A_278 = arith.constant 0 : i32
      %dma_wait3A_279 = tpu.memref_slice %arg17[%dma_wait3A_278] : memref<256xf32, #tpu.memory_space<vmem>> -> memref<128xf32, #tpu.memory_space<vmem>>
      %dma_wait3A_280 = arith.constant 0 : i32
      %dma_wait3A_281 = tpu.memref_slice %arg7[%dma_wait3A_280] : memref<1000000xf32, #tpu.memory_space<hbm>> -> memref<128xf32, #tpu.memory_space<hbm>>
      tpu.wait_dma2 semaphore(%arg23 : memref<!tpu.dma_semaphore, #tpu.memory_space<semaphore_mem>>) src(%dma_wait3A_281 : memref<128xf32, #tpu.memory_space<hbm>>) dst(%dma_wait3A_279 : memref<128xf32, #tpu.memory_space<vmem>>)
      %dma_wait3A_282 = arith.constant 1 : i32
      %dma_wait3A_283 = arith.constant 0 : i32
      %dma_wait3A_284 = arith.constant 0 : i32
      %dma_wait3A_285 = tpu.memref_slice %arg12[%dma_wait3A_282, %dma_wait3A_283, %dma_wait3A_284] : memref<2x64x128xf32, #tpu.memory_space<vmem>> -> memref<1x64x128xf32, #tpu.memory_space<vmem>>
      %dma_wait3A_286 = tpu.memref_squeeze %dma_wait3A_285 : memref<1x64x128xf32, #tpu.memory_space<vmem>> -> memref<64x128xf32, #tpu.memory_space<vmem>>
      %dma_wait3A_287 = arith.constant 0 : i32
      %dma_wait3A_288 = arith.constant 0 : i32
      %dma_wait3A_289 = tpu.memref_slice %arg4[%dma_wait3A_287, %dma_wait3A_288] : memref<64x1000000xf32, #tpu.memory_space<hbm>> -> memref<64x128xf32, #tpu.memory_space<hbm>>
      %dma_wait3A_290 = arith.constant 0 : i32
      %dma_wait3A_291 = arith.constant 0 : i32
      %dma_wait3A_292 = tpu.memref_slice %arg12[%dma_wait3A_282, %dma_wait3A_290, %dma_wait3A_291] : memref<2x64x128xf32, #tpu.memory_space<vmem>> -> memref<1x64x128xf32, #tpu.memory_space<vmem>>
      %dma_wait3A_293 = tpu.memref_squeeze %dma_wait3A_292 : memref<1x64x128xf32, #tpu.memory_space<vmem>> -> memref<64x128xf32, #tpu.memory_space<vmem>>
      %dma_wait3A_294 = arith.constant 0 : i32
      %dma_wait3A_295 = arith.constant 0 : i32
      %dma_wait3A_296 = tpu.memref_slice %arg4[%dma_wait3A_294, %dma_wait3A_295] : memref<64x1000000xf32, #tpu.memory_space<hbm>> -> memref<64x128xf32, #tpu.memory_space<hbm>>
      tpu.wait_dma2 semaphore(%arg23 : memref<!tpu.dma_semaphore, #tpu.memory_space<semaphore_mem>>) src(%dma_wait3A_296 : memref<64x128xf32, #tpu.memory_space<hbm>>) dst(%dma_wait3A_293 : memref<64x128xf32, #tpu.memory_space<vmem>>)
      %dma_wait3A_297 = arith.constant 1 : i32
      %dma_wait3A_298 = arith.constant 0 : i32
      %dma_wait3A_299 = arith.constant 0 : i32
      %dma_wait3A_300 = tpu.memref_slice %arg13[%dma_wait3A_297, %dma_wait3A_298, %dma_wait3A_299] : memref<2x64x128xf32, #tpu.memory_space<vmem>> -> memref<1x64x128xf32, #tpu.memory_space<vmem>>
      %dma_wait3A_301 = tpu.memref_squeeze %dma_wait3A_300 : memref<1x64x128xf32, #tpu.memory_space<vmem>> -> memref<64x128xf32, #tpu.memory_space<vmem>>
      %dma_wait3A_302 = arith.constant 0 : i32
      %dma_wait3A_303 = arith.constant 0 : i32
      %dma_wait3A_304 = tpu.memref_slice %arg6[%dma_wait3A_302, %dma_wait3A_303] : memref<64x1000000xf32, #tpu.memory_space<hbm>> -> memref<64x128xf32, #tpu.memory_space<hbm>>
      %dma_wait3A_305 = arith.constant 0 : i32
      %dma_wait3A_306 = arith.constant 0 : i32
      %dma_wait3A_307 = tpu.memref_slice %arg13[%dma_wait3A_297, %dma_wait3A_305, %dma_wait3A_306] : memref<2x64x128xf32, #tpu.memory_space<vmem>> -> memref<1x64x128xf32, #tpu.memory_space<vmem>>
      %dma_wait3A_308 = tpu.memref_squeeze %dma_wait3A_307 : memref<1x64x128xf32, #tpu.memory_space<vmem>> -> memref<64x128xf32, #tpu.memory_space<vmem>>
      %dma_wait3A_309 = arith.constant 0 : i32
      %dma_wait3A_310 = arith.constant 0 : i32
      %dma_wait3A_311 = tpu.memref_slice %arg6[%dma_wait3A_309, %dma_wait3A_310] : memref<64x1000000xf32, #tpu.memory_space<hbm>> -> memref<64x128xf32, #tpu.memory_space<hbm>>
      tpu.wait_dma2 semaphore(%arg23 : memref<!tpu.dma_semaphore, #tpu.memory_space<semaphore_mem>>) src(%dma_wait3A_311 : memref<64x128xf32, #tpu.memory_space<hbm>>) dst(%dma_wait3A_308 : memref<64x128xf32, #tpu.memory_space<vmem>>)
      %dma_wait3A_312 = arith.constant 128 : i32
      %dma_wait3A_313 = tpu.memref_slice %arg16[%dma_wait3A_312] : memref<256xf32, #tpu.memory_space<vmem>> -> memref<128xf32, #tpu.memory_space<vmem>>
      %dma_wait3A_314 = arith.constant 0 : i32
      %dma_wait3A_315 = tpu.memref_slice %arg5[%dma_wait3A_314] : memref<1000000xf32, #tpu.memory_space<hbm>> -> memref<128xf32, #tpu.memory_space<hbm>>
      %dma_wait3A_316 = arith.constant 128 : i32
      %dma_wait3A_317 = tpu.memref_slice %arg16[%dma_wait3A_316] : memref<256xf32, #tpu.memory_space<vmem>> -> memref<128xf32, #tpu.memory_space<vmem>>
      %dma_wait3A_318 = arith.constant 0 : i32
      %dma_wait3A_319 = tpu.memref_slice %arg5[%dma_wait3A_318] : memref<1000000xf32, #tpu.memory_space<hbm>> -> memref<128xf32, #tpu.memory_space<hbm>>
      tpu.wait_dma2 semaphore(%arg23 : memref<!tpu.dma_semaphore, #tpu.memory_space<semaphore_mem>>) src(%dma_wait3A_319 : memref<128xf32, #tpu.memory_space<hbm>>) dst(%dma_wait3A_317 : memref<128xf32, #tpu.memory_space<vmem>>)
      %dma_wait3A_320 = arith.constant 128 : i32
      %dma_wait3A_321 = tpu.memref_slice %arg17[%dma_wait3A_320] : memref<256xf32, #tpu.memory_space<vmem>> -> memref<128xf32, #tpu.memory_space<vmem>>
      %dma_wait3A_322 = arith.constant 0 : i32
      %dma_wait3A_323 = tpu.memref_slice %arg7[%dma_wait3A_322] : memref<1000000xf32, #tpu.memory_space<hbm>> -> memref<128xf32, #tpu.memory_space<hbm>>
      %dma_wait3A_324 = arith.constant 128 : i32
      %dma_wait3A_325 = tpu.memref_slice %arg17[%dma_wait3A_324] : memref<256xf32, #tpu.memory_space<vmem>> -> memref<128xf32, #tpu.memory_space<vmem>>
      %dma_wait3A_326 = arith.constant 0 : i32
      %dma_wait3A_327 = tpu.memref_slice %arg7[%dma_wait3A_326] : memref<1000000xf32, #tpu.memory_space<hbm>> -> memref<128xf32, #tpu.memory_space<hbm>>
      tpu.wait_dma2 semaphore(%arg23 : memref<!tpu.dma_semaphore, #tpu.memory_space<semaphore_mem>>) src(%dma_wait3A_327 : memref<128xf32, #tpu.memory_space<hbm>>) dst(%dma_wait3A_325 : memref<128xf32, #tpu.memory_space<vmem>>)
      %slice3A_328 = vector.extract_strided_slice %get3A_234 {offsets = [0], sizes = [1], strides = [1]} : vector<16xi32> to vector<1xi32>
      %squeeze3A_329 = vector.extract %slice3A_328[0] : i32 from vector<1xi32>
      %slice3A_330 = vector.extract_strided_slice %get3A_236 {offsets = [0], sizes = [1], strides = [1]} : vector<16xi32> to vector<1xi32>
      %squeeze3A_331 = vector.extract %slice3A_330[0] : i32 from vector<1xi32>
      %broadcast_in_dim3A = arith.constant 0 : i32
      %broadcast_in_dim3A_332 = vector.broadcast %broadcast_in_dim3A : i32 to vector<16xi32>
      %and3A = arith.constant 127 : i32
      %and3A_333 = arith.andi %squeeze3A_329, %and3A : i32
      %add3A_334 = vector.broadcast %and3A_333 : i32 to vector<16xi32>
      %add3A_335 = arith.addi %broadcast_in_dim3A_332, %add3A_334 : vector<16xi32>
      %broadcast_in_dim3A_336 = arith.constant 0 : i32
      %broadcast_in_dim3A_337 = vector.broadcast %broadcast_in_dim3A_336 : i32 to vector<16xi32>
      %and3A_338 = arith.constant 127 : i32
      %and3A_339 = arith.andi %squeeze3A_331, %and3A_338 : i32
      %add3A_340 = vector.broadcast %and3A_339 : i32 to vector<16xi32>
      %add3A_341 = arith.addi %broadcast_in_dim3A_337, %add3A_340 : vector<16xi32>
      %broadcast_in_dim3A_342 = arith.constant 0 : i32
      %broadcast_in_dim3A_343 = vector.broadcast %broadcast_in_dim3A_342 : i32 to vector<16xi32>
      %broadcast_in_dim3A_344 = arith.constant 0.000000e+00 : f32
      %broadcast_in_dim3A_345 = vector.broadcast %broadcast_in_dim3A_344 : f32 to vector<16xf32>
      %add3A_346 = arith.constant 0 : i32
      %add3A_347 = vector.broadcast %add3A_346 : i32 to vector<16xi32>
      %add3A_348 = arith.addi %add3A_347, %iota3A : vector<16xi32>
      %gather3A = tpu.vector_load_idx %arg12[%broadcast_in_dim3A_343, %add3A_348, %add3A_335] : memref<2x64x128xf32, #tpu.memory_space<vmem>>[vector<16xi32>, vector<16xi32>, vector<16xi32>], vector<16xf32>,
      %gather3A_349 = tpu.vector_load_idx %arg13[%broadcast_in_dim3A_343, %add3A_348, %add3A_341] : memref<2x64x128xf32, #tpu.memory_space<vmem>>[vector<16xi32>, vector<16xi32>, vector<16xi32>], vector<16xf32>,
      %mul3A_350 = arith.mulf %gather3A, %gather3A_349 : vector<16xf32>
      %add3A_351 = arith.addf %broadcast_in_dim3A_345, %mul3A_350 : vector<16xf32>
      %add3A_352 = arith.constant 16 : i32
      %add3A_353 = vector.broadcast %add3A_352 : i32 to vector<16xi32>
      %add3A_354 = arith.addi %add3A_353, %iota3A : vector<16xi32>
      %gather3A_355 = tpu.vector_load_idx %arg12[%broadcast_in_dim3A_343, %add3A_354, %add3A_335] : memref<2x64x128xf32, #tpu.memory_space<vmem>>[vector<16xi32>, vector<16xi32>, vector<16xi32>], vector<16xf32>,
      %gather3A_356 = tpu.vector_load_idx %arg13[%broadcast_in_dim3A_343, %add3A_354, %add3A_341] : memref<2x64x128xf32, #tpu.memory_space<vmem>>[vector<16xi32>, vector<16xi32>, vector<16xi32>], vector<16xf32>,
      %mul3A_357 = arith.mulf %gather3A_355, %gather3A_356 : vector<16xf32>
      %add3A_358 = arith.addf %add3A_351, %mul3A_357 : vector<16xf32>
      %add3A_359 = arith.constant 32 : i32
      %add3A_360 = vector.broadcast %add3A_359 : i32 to vector<16xi32>
      %add3A_361 = arith.addi %add3A_360, %iota3A : vector<16xi32>
      %gather3A_362 = tpu.vector_load_idx %arg12[%broadcast_in_dim3A_343, %add3A_361, %add3A_335] : memref<2x64x128xf32, #tpu.memory_space<vmem>>[vector<16xi32>, vector<16xi32>, vector<16xi32>], vector<16xf32>,
      %gather3A_363 = tpu.vector_load_idx %arg13[%broadcast_in_dim3A_343, %add3A_361, %add3A_341] : memref<2x64x128xf32, #tpu.memory_space<vmem>>[vector<16xi32>, vector<16xi32>, vector<16xi32>], vector<16xf32>,
      %mul3A_364 = arith.mulf %gather3A_362, %gather3A_363 : vector<16xf32>
      %add3A_365 = arith.addf %add3A_358, %mul3A_364 : vector<16xf32>
      %add3A_366 = arith.constant 48 : i32
      %add3A_367 = vector.broadcast %add3A_366 : i32 to vector<16xi32>
      %add3A_368 = arith.addi %add3A_367, %iota3A : vector<16xi32>
      %gather3A_369 = tpu.vector_load_idx %arg12[%broadcast_in_dim3A_343, %add3A_368, %add3A_335] : memref<2x64x128xf32, #tpu.memory_space<vmem>>[vector<16xi32>, vector<16xi32>, vector<16xi32>], vector<16xf32>,
      %gather3A_370 = tpu.vector_load_idx %arg13[%broadcast_in_dim3A_343, %add3A_368, %add3A_341] : memref<2x64x128xf32, #tpu.memory_space<vmem>>[vector<16xi32>, vector<16xi32>, vector<16xi32>], vector<16xf32>,
      %mul3A_371 = arith.mulf %gather3A_369, %gather3A_370 : vector<16xf32>
      %add3A_372 = arith.addf %add3A_365, %mul3A_371 : vector<16xf32>
      %broadcast_in_dim3A_373 = arith.constant 0 : i32
      %broadcast_in_dim3A_374 = vector.broadcast %broadcast_in_dim3A_373 : i32 to vector<16xi32>
      %add3A_375 = arith.addi %broadcast_in_dim3A_374, %add3A_335 : vector<16xi32>
      %gather3A_376 = tpu.vector_load_idx %arg16[%add3A_375] : memref<256xf32, #tpu.memory_space<vmem>>[vector<16xi32>], vector<16xf32>,
      %broadcast_in_dim3A_377 = arith.constant 0 : i32
      %broadcast_in_dim3A_378 = vector.broadcast %broadcast_in_dim3A_377 : i32 to vector<16xi32>
      %add3A_379 = arith.addi %broadcast_in_dim3A_378, %add3A_341 : vector<16xi32>
      %gather3A_380 = tpu.vector_load_idx %arg17[%add3A_379] : memref<256xf32, #tpu.memory_space<vmem>>[vector<16xi32>], vector<16xf32>,
      %add3A_381 = arith.addf %gather3A_376, %gather3A_380 : vector<16xf32>
      %mul3A_382 = arith.constant 6.250000e-02 : f32
      %mul3A_383 = vector.broadcast %mul3A_382 : f32 to vector<16xf32>
      %mul3A_384 = arith.mulf %add3A_381, %mul3A_383 : vector<16xf32>
      %add3A_385 = arith.addf %add3A_372, %mul3A_384 : vector<16xf32>
      %add3A_386 = vector.broadcast %mul3A_5 : f32 to vector<16xf32>
      %add3A_387 = arith.addf %add3A_385, %add3A_386 : vector<16xf32>
      %add3A_388 = arith.constant 0 : i32
      %add3A_389 = arith.addi %mul3A_232, %add3A_388 : i32
      %mul3A_390 = arith.constant 16 : i32
      %mul3A_391 = arith.muli %add3A_389, %mul3A_390 : i32
      %swap3A = arith.index_cast %mul3A_391 : i32 to index
      %swap3A_392 = tpu.vector_load %arg20[%swap3A] {strides = array<i32>} : memref<8192xf32, #tpu.memory_space<vmem>>, vector<16xf32>,
      tpu.vector_store %arg20[%swap3A], %add3A_387 {strides = array<i32>} : memref<8192xf32, #tpu.memory_space<vmem>>, vector<16xf32>,
      %slice3A_393 = vector.extract_strided_slice %get3A_234 {offsets = [1], sizes = [1], strides = [1]} : vector<16xi32> to vector<1xi32>
      %squeeze3A_394 = vector.extract %slice3A_393[0] : i32 from vector<1xi32>
      %slice3A_395 = vector.extract_strided_slice %get3A_236 {offsets = [1], sizes = [1], strides = [1]} : vector<16xi32> to vector<1xi32>
      %squeeze3A_396 = vector.extract %slice3A_395[0] : i32 from vector<1xi32>
      %broadcast_in_dim3A_397 = arith.constant 0 : i32
      %broadcast_in_dim3A_398 = vector.broadcast %broadcast_in_dim3A_397 : i32 to vector<16xi32>
      %and3A_399 = arith.constant 127 : i32
      %and3A_400 = arith.andi %squeeze3A_394, %and3A_399 : i32
      %add3A_401 = vector.broadcast %and3A_400 : i32 to vector<16xi32>
      %add3A_402 = arith.addi %broadcast_in_dim3A_398, %add3A_401 : vector<16xi32>
      %broadcast_in_dim3A_403 = arith.constant 0 : i32
      %broadcast_in_dim3A_404 = vector.broadcast %broadcast_in_dim3A_403 : i32 to vector<16xi32>
      %and3A_405 = arith.constant 127 : i32
      %and3A_406 = arith.andi %squeeze3A_396, %and3A_405 : i32
      %add3A_407 = vector.broadcast %and3A_406 : i32 to vector<16xi32>
      %add3A_408 = arith.addi %broadcast_in_dim3A_404, %add3A_407 : vector<16xi32>
      %broadcast_in_dim3A_409 = arith.constant 1 : i32
      %broadcast_in_dim3A_410 = vector.broadcast %broadcast_in_dim3A_409 : i32 to vector<16xi32>
      %broadcast_in_dim3A_411 = arith.constant 0.000000e+00 : f32
      %broadcast_in_dim3A_412 = vector.broadcast %broadcast_in_dim3A_411 : f32 to vector<16xf32>
      %add3A_413 = arith.constant 0 : i32
      %add3A_414 = vector.broadcast %add3A_413 : i32 to vector<16xi32>
      %add3A_415 = arith.addi %add3A_414, %iota3A : vector<16xi32>
      %gather3A_416 = tpu.vector_load_idx %arg12[%broadcast_in_dim3A_410, %add3A_415, %add3A_402] : memref<2x64x128xf32, #tpu.memory_space<vmem>>[vector<16xi32>, vector<16xi32>, vector<16xi32>], vector<16xf32>,
      %gather3A_417 = tpu.vector_load_idx %arg13[%broadcast_in_dim3A_410, %add3A_415, %add3A_408] : memref<2x64x128xf32, #tpu.memory_space<vmem>>[vector<16xi32>, vector<16xi32>, vector<16xi32>], vector<16xf32>,
      %mul3A_418 = arith.mulf %gather3A_416, %gather3A_417 : vector<16xf32>
      %add3A_419 = arith.addf %broadcast_in_dim3A_412, %mul3A_418 : vector<16xf32>
      %add3A_420 = arith.constant 16 : i32
      %add3A_421 = vector.broadcast %add3A_420 : i32 to vector<16xi32>
      %add3A_422 = arith.addi %add3A_421, %iota3A : vector<16xi32>
      %gather3A_423 = tpu.vector_load_idx %arg12[%broadcast_in_dim3A_410, %add3A_422, %add3A_402] : memref<2x64x128xf32, #tpu.memory_space<vmem>>[vector<16xi32>, vector<16xi32>, vector<16xi32>], vector<16xf32>,
      %gather3A_424 = tpu.vector_load_idx %arg13[%broadcast_in_dim3A_410, %add3A_422, %add3A_408] : memref<2x64x128xf32, #tpu.memory_space<vmem>>[vector<16xi32>, vector<16xi32>, vector<16xi32>], vector<16xf32>,
      %mul3A_425 = arith.mulf %gather3A_423, %gather3A_424 : vector<16xf32>
      %add3A_426 = arith.addf %add3A_419, %mul3A_425 : vector<16xf32>
      %add3A_427 = arith.constant 32 : i32
      %add3A_428 = vector.broadcast %add3A_427 : i32 to vector<16xi32>
      %add3A_429 = arith.addi %add3A_428, %iota3A : vector<16xi32>
      %gather3A_430 = tpu.vector_load_idx %arg12[%broadcast_in_dim3A_410, %add3A_429, %add3A_402] : memref<2x64x128xf32, #tpu.memory_space<vmem>>[vector<16xi32>, vector<16xi32>, vector<16xi32>], vector<16xf32>,
      %gather3A_431 = tpu.vector_load_idx %arg13[%broadcast_in_dim3A_410, %add3A_429, %add3A_408] : memref<2x64x128xf32, #tpu.memory_space<vmem>>[vector<16xi32>, vector<16xi32>, vector<16xi32>], vector<16xf32>,
      %mul3A_432 = arith.mulf %gather3A_430, %gather3A_431 : vector<16xf32>
      %add3A_433 = arith.addf %add3A_426, %mul3A_432 : vector<16xf32>
      %add3A_434 = arith.constant 48 : i32
      %add3A_435 = vector.broadcast %add3A_434 : i32 to vector<16xi32>
      %add3A_436 = arith.addi %add3A_435, %iota3A : vector<16xi32>
      %gather3A_437 = tpu.vector_load_idx %arg12[%broadcast_in_dim3A_410, %add3A_436, %add3A_402] : memref<2x64x128xf32, #tpu.memory_space<vmem>>[vector<16xi32>, vector<16xi32>, vector<16xi32>], vector<16xf32>,
      %gather3A_438 = tpu.vector_load_idx %arg13[%broadcast_in_dim3A_410, %add3A_436, %add3A_408] : memref<2x64x128xf32, #tpu.memory_space<vmem>>[vector<16xi32>, vector<16xi32>, vector<16xi32>], vector<16xf32>,
      %mul3A_439 = arith.mulf %gather3A_437, %gather3A_438 : vector<16xf32>
      %add3A_440 = arith.addf %add3A_433, %mul3A_439 : vector<16xf32>
      %broadcast_in_dim3A_441 = arith.constant 128 : i32
      %broadcast_in_dim3A_442 = vector.broadcast %broadcast_in_dim3A_441 : i32 to vector<16xi32>
      %add3A_443 = arith.addi %broadcast_in_dim3A_442, %add3A_402 : vector<16xi32>
      %gather3A_444 = tpu.vector_load_idx %arg16[%add3A_443] : memref<256xf32, #tpu.memory_space<vmem>>[vector<16xi32>], vector<16xf32>,
      %broadcast_in_dim3A_445 = arith.constant 128 : i32
      %broadcast_in_dim3A_446 = vector.broadcast %broadcast_in_dim3A_445 : i32 to vector<16xi32>
      %add3A_447 = arith.addi %broadcast_in_dim3A_446, %add3A_408 : vector<16xi32>
      %gather3A_448 = tpu.vector_load_idx %arg17[%add3A_447] : memref<256xf32, #tpu.memory_space<vmem>>[vector<16xi32>], vector<16xf32>,
      %add3A_449 = arith.addf %gather3A_444, %gather3A_448 : vector<16xf32>
      %mul3A_450 = arith.constant 6.250000e-02 : f32
      %mul3A_451 = vector.broadcast %mul3A_450 : f32 to vector<16xf32>
      %mul3A_452 = arith.mulf %add3A_449, %mul3A_451 : vector<16xf32>
      %add3A_453 = arith.addf %add3A_440, %mul3A_452 : vector<16xf32>
      %add3A_454 = vector.broadcast %mul3A_5 : f32 to vector<16xf32>
      %add3A_455 = arith.addf %add3A_453, %add3A_454 : vector<16xf32>
      %add3A_456 = arith.constant 1 : i32
      %add3A_457 = arith.addi %mul3A_232, %add3A_456 : i32
      %mul3A_458 = arith.constant 16 : i32
      %mul3A_459 = arith.muli %add3A_457, %mul3A_458 : i32
      %swap3A_460 = arith.index_cast %mul3A_459 : i32 to index
      %swap3A_461 = tpu.vector_load %arg20[%swap3A_460] {strides = array<i32>} : memref<8192xf32, #tpu.memory_space<vmem>>, vector<16xf32>,
      tpu.vector_store %arg20[%swap3A_460], %add3A_455 {strides = array<i32>} : memref<8192xf32, #tpu.memory_space<vmem>>, vector<16xf32>,
      %lt3A = arith.constant 127 : i32
      %lt3A_462 = arith.cmpi slt, %scan3A_230, %lt3A : i32
      %convert_element_type3A = arith.extui %lt3A_462 : i1 to i32
      %cond3A = arith.constant 0 : i32
      %cond3A_463 = arith.cmpi ne, %convert_element_type3A, %cond3A : i32
      scf.if %cond3A_463 {
        %add3A_707 = arith.constant 4 : i32
        %add3A_708 = arith.addi %mul3A_232, %add3A_707 : i32
        %get3A_709 = arith.index_cast %add3A_708 : i32 to index
        %get3A_710 = tpu.vector_load %arg10[%get3A_709] {strides = array<i32>} : memref<544xi32, #tpu.memory_space<vmem>>, vector<16xi32>,
        %add3A_711 = arith.constant 4 : i32
        %add3A_712 = arith.addi %mul3A_232, %add3A_711 : i32
        %get3A_713 = arith.index_cast %add3A_712 : i32 to index
        %get3A_714 = tpu.vector_load %arg11[%get3A_713] {strides = array<i32>} : memref<544xi32, #tpu.memory_space<vmem>>, vector<16xi32>,
        %slice3A_715 = vector.extract_strided_slice %get3A_710 {offsets = [0], sizes = [1], strides = [1]} : vector<16xi32> to vector<1xi32>
        %squeeze3A_716 = vector.extract %slice3A_715[0] : i32 from vector<1xi32>
        %slice3A_717 = vector.extract_strided_slice %get3A_714 {offsets = [0], sizes = [1], strides = [1]} : vector<16xi32> to vector<1xi32>
        %squeeze3A_718 = vector.extract %slice3A_717[0] : i32 from vector<1xi32>
        %shift_right_logical3A_719 = arith.constant 7 : i32
        %shift_right_logical3A_720 = arith.shrui %squeeze3A_716, %shift_right_logical3A_719 : i32
        %mul3A_721 = arith.constant 128 : i32
        %mul3A_722 = arith.muli %shift_right_logical3A_720, %mul3A_721 : i32
        %multiple_of3A_723 = tpu.assume_multiple %mul3A_722, 128 : i32
        %shift_right_logical3A_724 = arith.constant 7 : i32
        %shift_right_logical3A_725 = arith.shrui %squeeze3A_718, %shift_right_logical3A_724 : i32
        %mul3A_726 = arith.constant 128 : i32
        %mul3A_727 = arith.muli %shift_right_logical3A_725, %mul3A_726 : i32
        %multiple_of3A_728 = tpu.assume_multiple %mul3A_727, 128 : i32
        %dma_start3A_729 = arith.constant 0 : i32
        %dma_start3A_730 = arith.constant 0 : i32
        %dma_start3A_731 = arith.constant 0 : i32
        %dma_start3A_732 = tpu.memref_slice %arg12[%dma_start3A_729, %dma_start3A_730, %dma_start3A_731] : memref<2x64x128xf32, #tpu.memory_space<vmem>> -> memref<1x64x128xf32, #tpu.memory_space<vmem>>
        %dma_start3A_733 = tpu.memref_squeeze %dma_start3A_732 : memref<1x64x128xf32, #tpu.memory_space<vmem>> -> memref<64x128xf32, #tpu.memory_space<vmem>>
        %dma_start3A_734 = arith.constant 0 : i32
        %dma_start3A_735 = tpu.memref_slice %arg4[%dma_start3A_734, %multiple_of3A_723] : memref<64x1000000xf32, #tpu.memory_space<hbm>> -> memref<64x128xf32, #tpu.memory_space<hbm>>
        %dma_start3A_736 = arith.constant 0 : i32
        %dma_start3A_737 = arith.constant 0 : i32
        %dma_start3A_738 = tpu.memref_slice %arg12[%dma_start3A_729, %dma_start3A_736, %dma_start3A_737] : memref<2x64x128xf32, #tpu.memory_space<vmem>> -> memref<1x64x128xf32, #tpu.memory_space<vmem>>
        %dma_start3A_739 = tpu.memref_squeeze %dma_start3A_738 : memref<1x64x128xf32, #tpu.memory_space<vmem>> -> memref<64x128xf32, #tpu.memory_space<vmem>>
        %dma_start3A_740 = arith.constant 0 : i32
        %dma_start3A_741 = tpu.memref_slice %arg4[%dma_start3A_740, %multiple_of3A_723] : memref<64x1000000xf32, #tpu.memory_space<hbm>> -> memref<64x128xf32, #tpu.memory_space<hbm>>
        tpu.enqueue_dma source(%dma_start3A_741 : memref<64x128xf32, #tpu.memory_space<hbm>>) target(%dma_start3A_739 : memref<64x128xf32, #tpu.memory_space<vmem>>) target_semaphore(%arg23 : memref<!tpu.dma_semaphore, #tpu.memory_space<semaphore_mem>>)
        %dma_start3A_742 = arith.constant 0 : i32
        %dma_start3A_743 = arith.constant 0 : i32
        %dma_start3A_744 = arith.constant 0 : i32
        %dma_start3A_745 = tpu.memref_slice %arg13[%dma_start3A_742, %dma_start3A_743, %dma_start3A_744] : memref<2x64x128xf32, #tpu.memory_space<vmem>> -> memref<1x64x128xf32, #tpu.memory_space<vmem>>
        %dma_start3A_746 = tpu.memref_squeeze %dma_start3A_745 : memref<1x64x128xf32, #tpu.memory_space<vmem>> -> memref<64x128xf32, #tpu.memory_space<vmem>>
        %dma_start3A_747 = arith.constant 0 : i32
        %dma_start3A_748 = tpu.memref_slice %arg6[%dma_start3A_747, %multiple_of3A_728] : memref<64x1000000xf32, #tpu.memory_space<hbm>> -> memref<64x128xf32, #tpu.memory_space<hbm>>
        %dma_start3A_749 = arith.constant 0 : i32
        %dma_start3A_750 = arith.constant 0 : i32
        %dma_start3A_751 = tpu.memref_slice %arg13[%dma_start3A_742, %dma_start3A_749, %dma_start3A_750] : memref<2x64x128xf32, #tpu.memory_space<vmem>> -> memref<1x64x128xf32, #tpu.memory_space<vmem>>
        %dma_start3A_752 = tpu.memref_squeeze %dma_start3A_751 : memref<1x64x128xf32, #tpu.memory_space<vmem>> -> memref<64x128xf32, #tpu.memory_space<vmem>>
        %dma_start3A_753 = arith.constant 0 : i32
        %dma_start3A_754 = tpu.memref_slice %arg6[%dma_start3A_753, %multiple_of3A_728] : memref<64x1000000xf32, #tpu.memory_space<hbm>> -> memref<64x128xf32, #tpu.memory_space<hbm>>
        tpu.enqueue_dma source(%dma_start3A_754 : memref<64x128xf32, #tpu.memory_space<hbm>>) target(%dma_start3A_752 : memref<64x128xf32, #tpu.memory_space<vmem>>) target_semaphore(%arg23 : memref<!tpu.dma_semaphore, #tpu.memory_space<semaphore_mem>>)
        %dma_start3A_755 = arith.constant 0 : i32
        %dma_start3A_756 = tpu.memref_slice %arg16[%dma_start3A_755] : memref<256xf32, #tpu.memory_space<vmem>> -> memref<128xf32, #tpu.memory_space<vmem>>
        %dma_start3A_757 = tpu.memref_slice %arg5[%multiple_of3A_723] : memref<1000000xf32, #tpu.memory_space<hbm>> -> memref<128xf32, #tpu.memory_space<hbm>>
        %dma_start3A_758 = arith.constant 0 : i32
        %dma_start3A_759 = tpu.memref_slice %arg16[%dma_start3A_758] : memref<256xf32, #tpu.memory_space<vmem>> -> memref<128xf32, #tpu.memory_space<vmem>>
        %dma_start3A_760 = tpu.memref_slice %arg5[%multiple_of3A_723] : memref<1000000xf32, #tpu.memory_space<hbm>> -> memref<128xf32, #tpu.memory_space<hbm>>
        tpu.enqueue_dma source(%dma_start3A_760 : memref<128xf32, #tpu.memory_space<hbm>>) target(%dma_start3A_759 : memref<128xf32, #tpu.memory_space<vmem>>) target_semaphore(%arg23 : memref<!tpu.dma_semaphore, #tpu.memory_space<semaphore_mem>>)
        %dma_start3A_761 = arith.constant 0 : i32
        %dma_start3A_762 = tpu.memref_slice %arg17[%dma_start3A_761] : memref<256xf32, #tpu.memory_space<vmem>> -> memref<128xf32, #tpu.memory_space<vmem>>
        %dma_start3A_763 = tpu.memref_slice %arg7[%multiple_of3A_728] : memref<1000000xf32, #tpu.memory_space<hbm>> -> memref<128xf32, #tpu.memory_space<hbm>>
        %dma_start3A_764 = arith.constant 0 : i32
        %dma_start3A_765 = tpu.memref_slice %arg17[%dma_start3A_764] : memref<256xf32, #tpu.memory_space<vmem>> -> memref<128xf32, #tpu.memory_space<vmem>>
        %dma_start3A_766 = tpu.memref_slice %arg7[%multiple_of3A_728] : memref<1000000xf32, #tpu.memory_space<hbm>> -> memref<128xf32, #tpu.memory_space<hbm>>
        tpu.enqueue_dma source(%dma_start3A_766 : memref<128xf32, #tpu.memory_space<hbm>>) target(%dma_start3A_765 : memref<128xf32, #tpu.memory_space<vmem>>) target_semaphore(%arg23 : memref<!tpu.dma_semaphore, #tpu.memory_space<semaphore_mem>>)
        %slice3A_767 = vector.extract_strided_slice %get3A_710 {offsets = [1], sizes = [1], strides = [1]} : vector<16xi32> to vector<1xi32>
        %squeeze3A_768 = vector.extract %slice3A_767[0] : i32 from vector<1xi32>
        %slice3A_769 = vector.extract_strided_slice %get3A_714 {offsets = [1], sizes = [1], strides = [1]} : vector<16xi32> to vector<1xi32>
        %squeeze3A_770 = vector.extract %slice3A_769[0] : i32 from vector<1xi32>
        %shift_right_logical3A_771 = arith.constant 7 : i32
        %shift_right_logical3A_772 = arith.shrui %squeeze3A_768, %shift_right_logical3A_771 : i32
        %mul3A_773 = arith.constant 128 : i32
        %mul3A_774 = arith.muli %shift_right_logical3A_772, %mul3A_773 : i32
        %multiple_of3A_775 = tpu.assume_multiple %mul3A_774, 128 : i32
        %shift_right_logical3A_776 = arith.constant 7 : i32
        %shift_right_logical3A_777 = arith.shrui %squeeze3A_770, %shift_right_logical3A_776 : i32
        %mul3A_778 = arith.constant 128 : i32
        %mul3A_779 = arith.muli %shift_right_logical3A_777, %mul3A_778 : i32
        %multiple_of3A_780 = tpu.assume_multiple %mul3A_779, 128 : i32
        %dma_start3A_781 = arith.constant 1 : i32
        %dma_start3A_782 = arith.constant 0 : i32
        %dma_start3A_783 = arith.constant 0 : i32
        %dma_start3A_784 = tpu.memref_slice %arg12[%dma_start3A_781, %dma_start3A_782, %dma_start3A_783] : memref<2x64x128xf32, #tpu.memory_space<vmem>> -> memref<1x64x128xf32, #tpu.memory_space<vmem>>
        %dma_start3A_785 = tpu.memref_squeeze %dma_start3A_784 : memref<1x64x128xf32, #tpu.memory_space<vmem>> -> memref<64x128xf32, #tpu.memory_space<vmem>>
        %dma_start3A_786 = arith.constant 0 : i32
        %dma_start3A_787 = tpu.memref_slice %arg4[%dma_start3A_786, %multiple_of3A_775] : memref<64x1000000xf32, #tpu.memory_space<hbm>> -> memref<64x128xf32, #tpu.memory_space<hbm>>
        %dma_start3A_788 = arith.constant 0 : i32
        %dma_start3A_789 = arith.constant 0 : i32
        %dma_start3A_790 = tpu.memref_slice %arg12[%dma_start3A_781, %dma_start3A_788, %dma_start3A_789] : memref<2x64x128xf32, #tpu.memory_space<vmem>> -> memref<1x64x128xf32, #tpu.memory_space<vmem>>
        %dma_start3A_791 = tpu.memref_squeeze %dma_start3A_790 : memref<1x64x128xf32, #tpu.memory_space<vmem>> -> memref<64x128xf32, #tpu.memory_space<vmem>>
        %dma_start3A_792 = arith.constant 0 : i32
        %dma_start3A_793 = tpu.memref_slice %arg4[%dma_start3A_792, %multiple_of3A_775] : memref<64x1000000xf32, #tpu.memory_space<hbm>> -> memref<64x128xf32, #tpu.memory_space<hbm>>
        tpu.enqueue_dma source(%dma_start3A_793 : memref<64x128xf32, #tpu.memory_space<hbm>>) target(%dma_start3A_791 : memref<64x128xf32, #tpu.memory_space<vmem>>) target_semaphore(%arg23 : memref<!tpu.dma_semaphore, #tpu.memory_space<semaphore_mem>>)
        %dma_start3A_794 = arith.constant 1 : i32
        %dma_start3A_795 = arith.constant 0 : i32
        %dma_start3A_796 = arith.constant 0 : i32
        %dma_start3A_797 = tpu.memref_slice %arg13[%dma_start3A_794, %dma_start3A_795, %dma_start3A_796] : memref<2x64x128xf32, #tpu.memory_space<vmem>> -> memref<1x64x128xf32, #tpu.memory_space<vmem>>
        %dma_start3A_798 = tpu.memref_squeeze %dma_start3A_797 : memref<1x64x128xf32, #tpu.memory_space<vmem>> -> memref<64x128xf32, #tpu.memory_space<vmem>>
        %dma_start3A_799 = arith.constant 0 : i32
        %dma_start3A_800 = tpu.memref_slice %arg6[%dma_start3A_799, %multiple_of3A_780] : memref<64x1000000xf32, #tpu.memory_space<hbm>> -> memref<64x128xf32, #tpu.memory_space<hbm>>
        %dma_start3A_801 = arith.constant 0 : i32
        %dma_start3A_802 = arith.constant 0 : i32
        %dma_start3A_803 = tpu.memref_slice %arg13[%dma_start3A_794, %dma_start3A_801, %dma_start3A_802] : memref<2x64x128xf32, #tpu.memory_space<vmem>> -> memref<1x64x128xf32, #tpu.memory_space<vmem>>
        %dma_start3A_804 = tpu.memref_squeeze %dma_start3A_803 : memref<1x64x128xf32, #tpu.memory_space<vmem>> -> memref<64x128xf32, #tpu.memory_space<vmem>>
        %dma_start3A_805 = arith.constant 0 : i32
        %dma_start3A_806 = tpu.memref_slice %arg6[%dma_start3A_805, %multiple_of3A_780] : memref<64x1000000xf32, #tpu.memory_space<hbm>> -> memref<64x128xf32, #tpu.memory_space<hbm>>
        tpu.enqueue_dma source(%dma_start3A_806 : memref<64x128xf32, #tpu.memory_space<hbm>>) target(%dma_start3A_804 : memref<64x128xf32, #tpu.memory_space<vmem>>) target_semaphore(%arg23 : memref<!tpu.dma_semaphore, #tpu.memory_space<semaphore_mem>>)
        %dma_start3A_807 = arith.constant 128 : i32
        %dma_start3A_808 = tpu.memref_slice %arg16[%dma_start3A_807] : memref<256xf32, #tpu.memory_space<vmem>> -> memref<128xf32, #tpu.memory_space<vmem>>
        %dma_start3A_809 = tpu.memref_slice %arg5[%multiple_of3A_775] : memref<1000000xf32, #tpu.memory_space<hbm>> -> memref<128xf32, #tpu.memory_space<hbm>>
        %dma_start3A_810 = arith.constant 128 : i32
        %dma_start3A_811 = tpu.memref_slice %arg16[%dma_start3A_810] : memref<256xf32, #tpu.memory_space<vmem>> -> memref<128xf32, #tpu.memory_space<vmem>>
        %dma_start3A_812 = tpu.memref_slice %arg5[%multiple_of3A_775] : memref<1000000xf32, #tpu.memory_space<hbm>> -> memref<128xf32, #tpu.memory_space<hbm>>
        tpu.enqueue_dma source(%dma_start3A_812 : memref<128xf32, #tpu.memory_space<hbm>>) target(%dma_start3A_811 : memref<128xf32, #tpu.memory_space<vmem>>) target_semaphore(%arg23 : memref<!tpu.dma_semaphore, #tpu.memory_space<semaphore_mem>>)
        %dma_start3A_813 = arith.constant 128 : i32
        %dma_start3A_814 = tpu.memref_slice %arg17[%dma_start3A_813] : memref<256xf32, #tpu.memory_space<vmem>> -> memref<128xf32, #tpu.memory_space<vmem>>
        %dma_start3A_815 = tpu.memref_slice %arg7[%multiple_of3A_780] : memref<1000000xf32, #tpu.memory_space<hbm>> -> memref<128xf32, #tpu.memory_space<hbm>>
        %dma_start3A_816 = arith.constant 128 : i32
        %dma_start3A_817 = tpu.memref_slice %arg17[%dma_start3A_816] : memref<256xf32, #tpu.memory_space<vmem>> -> memref<128xf32, #tpu.memory_space<vmem>>
        %dma_start3A_818 = tpu.memref_slice %arg7[%multiple_of3A_780] : memref<1000000xf32, #tpu.memory_space<hbm>> -> memref<128xf32, #tpu.memory_space<hbm>>
        tpu.enqueue_dma source(%dma_start3A_818 : memref<128xf32, #tpu.memory_space<hbm>>) target(%dma_start3A_817 : memref<128xf32, #tpu.memory_space<vmem>>) target_semaphore(%arg23 : memref<!tpu.dma_semaphore, #tpu.memory_space<semaphore_mem>>)
      } else {
      }
      %mul3A_464 = arith.constant 4 : i32
      %mul3A_465 = arith.muli %scan3A_230, %mul3A_464 : i32
      %add3A_466 = arith.constant 2 : i32
      %add3A_467 = arith.addi %mul3A_465, %add3A_466 : i32
      %get3A_468 = arith.index_cast %add3A_467 : i32 to index
      %get3A_469 = tpu.vector_load %arg10[%get3A_468] {strides = array<i32>} : memref<544xi32, #tpu.memory_space<vmem>>, vector<16xi32>,
      %get3A_470 = arith.index_cast %add3A_467 : i32 to index
      %get3A_471 = tpu.vector_load %arg11[%get3A_470] {strides = array<i32>} : memref<544xi32, #tpu.memory_space<vmem>>, vector<16xi32>,
      %dma_wait3A_472 = arith.constant 0 : i32
      %dma_wait3A_473 = arith.constant 0 : i32
      %dma_wait3A_474 = arith.constant 0 : i32
      %dma_wait3A_475 = tpu.memref_slice %arg14[%dma_wait3A_472, %dma_wait3A_473, %dma_wait3A_474] : memref<2x64x128xf32, #tpu.memory_space<vmem>> -> memref<1x64x128xf32, #tpu.memory_space<vmem>>
      %dma_wait3A_476 = tpu.memref_squeeze %dma_wait3A_475 : memref<1x64x128xf32, #tpu.memory_space<vmem>> -> memref<64x128xf32, #tpu.memory_space<vmem>>
      %dma_wait3A_477 = arith.constant 0 : i32
      %dma_wait3A_478 = arith.constant 0 : i32
      %dma_wait3A_479 = tpu.memref_slice %arg4[%dma_wait3A_477, %dma_wait3A_478] : memref<64x1000000xf32, #tpu.memory_space<hbm>> -> memref<64x128xf32, #tpu.memory_space<hbm>>
      %dma_wait3A_480 = arith.constant 0 : i32
      %dma_wait3A_481 = arith.constant 0 : i32
      %dma_wait3A_482 = tpu.memref_slice %arg14[%dma_wait3A_472, %dma_wait3A_480, %dma_wait3A_481] : memref<2x64x128xf32, #tpu.memory_space<vmem>> -> memref<1x64x128xf32, #tpu.memory_space<vmem>>
      %dma_wait3A_483 = tpu.memref_squeeze %dma_wait3A_482 : memref<1x64x128xf32, #tpu.memory_space<vmem>> -> memref<64x128xf32, #tpu.memory_space<vmem>>
      %dma_wait3A_484 = arith.constant 0 : i32
      %dma_wait3A_485 = arith.constant 0 : i32
      %dma_wait3A_486 = tpu.memref_slice %arg4[%dma_wait3A_484, %dma_wait3A_485] : memref<64x1000000xf32, #tpu.memory_space<hbm>> -> memref<64x128xf32, #tpu.memory_space<hbm>>
      tpu.wait_dma2 semaphore(%arg24 : memref<!tpu.dma_semaphore, #tpu.memory_space<semaphore_mem>>) src(%dma_wait3A_486 : memref<64x128xf32, #tpu.memory_space<hbm>>) dst(%dma_wait3A_483 : memref<64x128xf32, #tpu.memory_space<vmem>>)
      %dma_wait3A_487 = arith.constant 0 : i32
      %dma_wait3A_488 = arith.constant 0 : i32
      %dma_wait3A_489 = arith.constant 0 : i32
      %dma_wait3A_490 = tpu.memref_slice %arg15[%dma_wait3A_487, %dma_wait3A_488, %dma_wait3A_489] : memref<2x64x128xf32, #tpu.memory_space<vmem>> -> memref<1x64x128xf32, #tpu.memory_space<vmem>>
      %dma_wait3A_491 = tpu.memref_squeeze %dma_wait3A_490 : memref<1x64x128xf32, #tpu.memory_space<vmem>> -> memref<64x128xf32, #tpu.memory_space<vmem>>
      %dma_wait3A_492 = arith.constant 0 : i32
      %dma_wait3A_493 = arith.constant 0 : i32
      %dma_wait3A_494 = tpu.memref_slice %arg6[%dma_wait3A_492, %dma_wait3A_493] : memref<64x1000000xf32, #tpu.memory_space<hbm>> -> memref<64x128xf32, #tpu.memory_space<hbm>>
      %dma_wait3A_495 = arith.constant 0 : i32
      %dma_wait3A_496 = arith.constant 0 : i32
      %dma_wait3A_497 = tpu.memref_slice %arg15[%dma_wait3A_487, %dma_wait3A_495, %dma_wait3A_496] : memref<2x64x128xf32, #tpu.memory_space<vmem>> -> memref<1x64x128xf32, #tpu.memory_space<vmem>>
      %dma_wait3A_498 = tpu.memref_squeeze %dma_wait3A_497 : memref<1x64x128xf32, #tpu.memory_space<vmem>> -> memref<64x128xf32, #tpu.memory_space<vmem>>
      %dma_wait3A_499 = arith.constant 0 : i32
      %dma_wait3A_500 = arith.constant 0 : i32
      %dma_wait3A_501 = tpu.memref_slice %arg6[%dma_wait3A_499, %dma_wait3A_500] : memref<64x1000000xf32, #tpu.memory_space<hbm>> -> memref<64x128xf32, #tpu.memory_space<hbm>>
      tpu.wait_dma2 semaphore(%arg24 : memref<!tpu.dma_semaphore, #tpu.memory_space<semaphore_mem>>) src(%dma_wait3A_501 : memref<64x128xf32, #tpu.memory_space<hbm>>) dst(%dma_wait3A_498 : memref<64x128xf32, #tpu.memory_space<vmem>>)
      %dma_wait3A_502 = arith.constant 0 : i32
      %dma_wait3A_503 = tpu.memref_slice %arg18[%dma_wait3A_502] : memref<256xf32, #tpu.memory_space<vmem>> -> memref<128xf32, #tpu.memory_space<vmem>>
      %dma_wait3A_504 = arith.constant 0 : i32
      %dma_wait3A_505 = tpu.memref_slice %arg5[%dma_wait3A_504] : memref<1000000xf32, #tpu.memory_space<hbm>> -> memref<128xf32, #tpu.memory_space<hbm>>
      %dma_wait3A_506 = arith.constant 0 : i32
      %dma_wait3A_507 = tpu.memref_slice %arg18[%dma_wait3A_506] : memref<256xf32, #tpu.memory_space<vmem>> -> memref<128xf32, #tpu.memory_space<vmem>>
      %dma_wait3A_508 = arith.constant 0 : i32
      %dma_wait3A_509 = tpu.memref_slice %arg5[%dma_wait3A_508] : memref<1000000xf32, #tpu.memory_space<hbm>> -> memref<128xf32, #tpu.memory_space<hbm>>
      tpu.wait_dma2 semaphore(%arg24 : memref<!tpu.dma_semaphore, #tpu.memory_space<semaphore_mem>>) src(%dma_wait3A_509 : memref<128xf32, #tpu.memory_space<hbm>>) dst(%dma_wait3A_507 : memref<128xf32, #tpu.memory_space<vmem>>)
      %dma_wait3A_510 = arith.constant 0 : i32
      %dma_wait3A_511 = tpu.memref_slice %arg19[%dma_wait3A_510] : memref<256xf32, #tpu.memory_space<vmem>> -> memref<128xf32, #tpu.memory_space<vmem>>
      %dma_wait3A_512 = arith.constant 0 : i32
      %dma_wait3A_513 = tpu.memref_slice %arg7[%dma_wait3A_512] : memref<1000000xf32, #tpu.memory_space<hbm>> -> memref<128xf32, #tpu.memory_space<hbm>>
      %dma_wait3A_514 = arith.constant 0 : i32
      %dma_wait3A_515 = tpu.memref_slice %arg19[%dma_wait3A_514] : memref<256xf32, #tpu.memory_space<vmem>> -> memref<128xf32, #tpu.memory_space<vmem>>
      %dma_wait3A_516 = arith.constant 0 : i32
      %dma_wait3A_517 = tpu.memref_slice %arg7[%dma_wait3A_516] : memref<1000000xf32, #tpu.memory_space<hbm>> -> memref<128xf32, #tpu.memory_space<hbm>>
      tpu.wait_dma2 semaphore(%arg24 : memref<!tpu.dma_semaphore, #tpu.memory_space<semaphore_mem>>) src(%dma_wait3A_517 : memref<128xf32, #tpu.memory_space<hbm>>) dst(%dma_wait3A_515 : memref<128xf32, #tpu.memory_space<vmem>>)
      %dma_wait3A_518 = arith.constant 1 : i32
      %dma_wait3A_519 = arith.constant 0 : i32
      %dma_wait3A_520 = arith.constant 0 : i32
      %dma_wait3A_521 = tpu.memref_slice %arg14[%dma_wait3A_518, %dma_wait3A_519, %dma_wait3A_520] : memref<2x64x128xf32, #tpu.memory_space<vmem>> -> memref<1x64x128xf32, #tpu.memory_space<vmem>>
      %dma_wait3A_522 = tpu.memref_squeeze %dma_wait3A_521 : memref<1x64x128xf32, #tpu.memory_space<vmem>> -> memref<64x128xf32, #tpu.memory_space<vmem>>
      %dma_wait3A_523 = arith.constant 0 : i32
      %dma_wait3A_524 = arith.constant 0 : i32
      %dma_wait3A_525 = tpu.memref_slice %arg4[%dma_wait3A_523, %dma_wait3A_524] : memref<64x1000000xf32, #tpu.memory_space<hbm>> -> memref<64x128xf32, #tpu.memory_space<hbm>>
      %dma_wait3A_526 = arith.constant 0 : i32
      %dma_wait3A_527 = arith.constant 0 : i32
      %dma_wait3A_528 = tpu.memref_slice %arg14[%dma_wait3A_518, %dma_wait3A_526, %dma_wait3A_527] : memref<2x64x128xf32, #tpu.memory_space<vmem>> -> memref<1x64x128xf32, #tpu.memory_space<vmem>>
      %dma_wait3A_529 = tpu.memref_squeeze %dma_wait3A_528 : memref<1x64x128xf32, #tpu.memory_space<vmem>> -> memref<64x128xf32, #tpu.memory_space<vmem>>
      %dma_wait3A_530 = arith.constant 0 : i32
      %dma_wait3A_531 = arith.constant 0 : i32
      %dma_wait3A_532 = tpu.memref_slice %arg4[%dma_wait3A_530, %dma_wait3A_531] : memref<64x1000000xf32, #tpu.memory_space<hbm>> -> memref<64x128xf32, #tpu.memory_space<hbm>>
      tpu.wait_dma2 semaphore(%arg24 : memref<!tpu.dma_semaphore, #tpu.memory_space<semaphore_mem>>) src(%dma_wait3A_532 : memref<64x128xf32, #tpu.memory_space<hbm>>) dst(%dma_wait3A_529 : memref<64x128xf32, #tpu.memory_space<vmem>>)
      %dma_wait3A_533 = arith.constant 1 : i32
      %dma_wait3A_534 = arith.constant 0 : i32
      %dma_wait3A_535 = arith.constant 0 : i32
      %dma_wait3A_536 = tpu.memref_slice %arg15[%dma_wait3A_533, %dma_wait3A_534, %dma_wait3A_535] : memref<2x64x128xf32, #tpu.memory_space<vmem>> -> memref<1x64x128xf32, #tpu.memory_space<vmem>>
      %dma_wait3A_537 = tpu.memref_squeeze %dma_wait3A_536 : memref<1x64x128xf32, #tpu.memory_space<vmem>> -> memref<64x128xf32, #tpu.memory_space<vmem>>
      %dma_wait3A_538 = arith.constant 0 : i32
      %dma_wait3A_539 = arith.constant 0 : i32
      %dma_wait3A_540 = tpu.memref_slice %arg6[%dma_wait3A_538, %dma_wait3A_539] : memref<64x1000000xf32, #tpu.memory_space<hbm>> -> memref<64x128xf32, #tpu.memory_space<hbm>>
      %dma_wait3A_541 = arith.constant 0 : i32
      %dma_wait3A_542 = arith.constant 0 : i32
      %dma_wait3A_543 = tpu.memref_slice %arg15[%dma_wait3A_533, %dma_wait3A_541, %dma_wait3A_542] : memref<2x64x128xf32, #tpu.memory_space<vmem>> -> memref<1x64x128xf32, #tpu.memory_space<vmem>>
      %dma_wait3A_544 = tpu.memref_squeeze %dma_wait3A_543 : memref<1x64x128xf32, #tpu.memory_space<vmem>> -> memref<64x128xf32, #tpu.memory_space<vmem>>
      %dma_wait3A_545 = arith.constant 0 : i32
      %dma_wait3A_546 = arith.constant 0 : i32
      %dma_wait3A_547 = tpu.memref_slice %arg6[%dma_wait3A_545, %dma_wait3A_546] : memref<64x1000000xf32, #tpu.memory_space<hbm>> -> memref<64x128xf32, #tpu.memory_space<hbm>>
      tpu.wait_dma2 semaphore(%arg24 : memref<!tpu.dma_semaphore, #tpu.memory_space<semaphore_mem>>) src(%dma_wait3A_547 : memref<64x128xf32, #tpu.memory_space<hbm>>) dst(%dma_wait3A_544 : memref<64x128xf32, #tpu.memory_space<vmem>>)
      %dma_wait3A_548 = arith.constant 128 : i32
      %dma_wait3A_549 = tpu.memref_slice %arg18[%dma_wait3A_548] : memref<256xf32, #tpu.memory_space<vmem>> -> memref<128xf32, #tpu.memory_space<vmem>>
      %dma_wait3A_550 = arith.constant 0 : i32
      %dma_wait3A_551 = tpu.memref_slice %arg5[%dma_wait3A_550] : memref<1000000xf32, #tpu.memory_space<hbm>> -> memref<128xf32, #tpu.memory_space<hbm>>
      %dma_wait3A_552 = arith.constant 128 : i32
      %dma_wait3A_553 = tpu.memref_slice %arg18[%dma_wait3A_552] : memref<256xf32, #tpu.memory_space<vmem>> -> memref<128xf32, #tpu.memory_space<vmem>>
      %dma_wait3A_554 = arith.constant 0 : i32
      %dma_wait3A_555 = tpu.memref_slice %arg5[%dma_wait3A_554] : memref<1000000xf32, #tpu.memory_space<hbm>> -> memref<128xf32, #tpu.memory_space<hbm>>
      tpu.wait_dma2 semaphore(%arg24 : memref<!tpu.dma_semaphore, #tpu.memory_space<semaphore_mem>>) src(%dma_wait3A_555 : memref<128xf32, #tpu.memory_space<hbm>>) dst(%dma_wait3A_553 : memref<128xf32, #tpu.memory_space<vmem>>)
      %dma_wait3A_556 = arith.constant 128 : i32
      %dma_wait3A_557 = tpu.memref_slice %arg19[%dma_wait3A_556] : memref<256xf32, #tpu.memory_space<vmem>> -> memref<128xf32, #tpu.memory_space<vmem>>
      %dma_wait3A_558 = arith.constant 0 : i32
      %dma_wait3A_559 = tpu.memref_slice %arg7[%dma_wait3A_558] : memref<1000000xf32, #tpu.memory_space<hbm>> -> memref<128xf32, #tpu.memory_space<hbm>>
      %dma_wait3A_560 = arith.constant 128 : i32
      %dma_wait3A_561 = tpu.memref_slice %arg19[%dma_wait3A_560] : memref<256xf32, #tpu.memory_space<vmem>> -> memref<128xf32, #tpu.memory_space<vmem>>
      %dma_wait3A_562 = arith.constant 0 : i32
      %dma_wait3A_563 = tpu.memref_slice %arg7[%dma_wait3A_562] : memref<1000000xf32, #tpu.memory_space<hbm>> -> memref<128xf32, #tpu.memory_space<hbm>>
      tpu.wait_dma2 semaphore(%arg24 : memref<!tpu.dma_semaphore, #tpu.memory_space<semaphore_mem>>) src(%dma_wait3A_563 : memref<128xf32, #tpu.memory_space<hbm>>) dst(%dma_wait3A_561 : memref<128xf32, #tpu.memory_space<vmem>>)
      %slice3A_564 = vector.extract_strided_slice %get3A_469 {offsets = [0], sizes = [1], strides = [1]} : vector<16xi32> to vector<1xi32>
      %squeeze3A_565 = vector.extract %slice3A_564[0] : i32 from vector<1xi32>
      %slice3A_566 = vector.extract_strided_slice %get3A_471 {offsets = [0], sizes = [1], strides = [1]} : vector<16xi32> to vector<1xi32>
      %squeeze3A_567 = vector.extract %slice3A_566[0] : i32 from vector<1xi32>
      %broadcast_in_dim3A_568 = arith.constant 0 : i32
      %broadcast_in_dim3A_569 = vector.broadcast %broadcast_in_dim3A_568 : i32 to vector<16xi32>
      %and3A_570 = arith.constant 127 : i32
      %and3A_571 = arith.andi %squeeze3A_565, %and3A_570 : i32
      %add3A_572 = vector.broadcast %and3A_571 : i32 to vector<16xi32>
      %add3A_573 = arith.addi %broadcast_in_dim3A_569, %add3A_572 : vector<16xi32>
      %broadcast_in_dim3A_574 = arith.constant 0 : i32
      %broadcast_in_dim3A_575 = vector.broadcast %broadcast_in_dim3A_574 : i32 to vector<16xi32>
      %and3A_576 = arith.constant 127 : i32
      %and3A_577 = arith.andi %squeeze3A_567, %and3A_576 : i32
      %add3A_578 = vector.broadcast %and3A_577 : i32 to vector<16xi32>
      %add3A_579 = arith.addi %broadcast_in_dim3A_575, %add3A_578 : vector<16xi32>
      %broadcast_in_dim3A_580 = arith.constant 0 : i32
      %broadcast_in_dim3A_581 = vector.broadcast %broadcast_in_dim3A_580 : i32 to vector<16xi32>
      %broadcast_in_dim3A_582 = arith.constant 0.000000e+00 : f32
      %broadcast_in_dim3A_583 = vector.broadcast %broadcast_in_dim3A_582 : f32 to vector<16xf32>
      %add3A_584 = arith.constant 0 : i32
      %add3A_585 = vector.broadcast %add3A_584 : i32 to vector<16xi32>
      %add3A_586 = arith.addi %add3A_585, %iota3A : vector<16xi32>
      %gather3A_587 = tpu.vector_load_idx %arg14[%broadcast_in_dim3A_581, %add3A_586, %add3A_573] : memref<2x64x128xf32, #tpu.memory_space<vmem>>[vector<16xi32>, vector<16xi32>, vector<16xi32>], vector<16xf32>,
      %gather3A_588 = tpu.vector_load_idx %arg15[%broadcast_in_dim3A_581, %add3A_586, %add3A_579] : memref<2x64x128xf32, #tpu.memory_space<vmem>>[vector<16xi32>, vector<16xi32>, vector<16xi32>], vector<16xf32>,
      %mul3A_589 = arith.mulf %gather3A_587, %gather3A_588 : vector<16xf32>
      %add3A_590 = arith.addf %broadcast_in_dim3A_583, %mul3A_589 : vector<16xf32>
      %add3A_591 = arith.constant 16 : i32
      %add3A_592 = vector.broadcast %add3A_591 : i32 to vector<16xi32>
      %add3A_593 = arith.addi %add3A_592, %iota3A : vector<16xi32>
      %gather3A_594 = tpu.vector_load_idx %arg14[%broadcast_in_dim3A_581, %add3A_593, %add3A_573] : memref<2x64x128xf32, #tpu.memory_space<vmem>>[vector<16xi32>, vector<16xi32>, vector<16xi32>], vector<16xf32>,
      %gather3A_595 = tpu.vector_load_idx %arg15[%broadcast_in_dim3A_581, %add3A_593, %add3A_579] : memref<2x64x128xf32, #tpu.memory_space<vmem>>[vector<16xi32>, vector<16xi32>, vector<16xi32>], vector<16xf32>,
      %mul3A_596 = arith.mulf %gather3A_594, %gather3A_595 : vector<16xf32>
      %add3A_597 = arith.addf %add3A_590, %mul3A_596 : vector<16xf32>
      %add3A_598 = arith.constant 32 : i32
      %add3A_599 = vector.broadcast %add3A_598 : i32 to vector<16xi32>
      %add3A_600 = arith.addi %add3A_599, %iota3A : vector<16xi32>
      %gather3A_601 = tpu.vector_load_idx %arg14[%broadcast_in_dim3A_581, %add3A_600, %add3A_573] : memref<2x64x128xf32, #tpu.memory_space<vmem>>[vector<16xi32>, vector<16xi32>, vector<16xi32>], vector<16xf32>,
      %gather3A_602 = tpu.vector_load_idx %arg15[%broadcast_in_dim3A_581, %add3A_600, %add3A_579] : memref<2x64x128xf32, #tpu.memory_space<vmem>>[vector<16xi32>, vector<16xi32>, vector<16xi32>], vector<16xf32>,
      %mul3A_603 = arith.mulf %gather3A_601, %gather3A_602 : vector<16xf32>
      %add3A_604 = arith.addf %add3A_597, %mul3A_603 : vector<16xf32>
      %add3A_605 = arith.constant 48 : i32
      %add3A_606 = vector.broadcast %add3A_605 : i32 to vector<16xi32>
      %add3A_607 = arith.addi %add3A_606, %iota3A : vector<16xi32>
      %gather3A_608 = tpu.vector_load_idx %arg14[%broadcast_in_dim3A_581, %add3A_607, %add3A_573] : memref<2x64x128xf32, #tpu.memory_space<vmem>>[vector<16xi32>, vector<16xi32>, vector<16xi32>], vector<16xf32>,
      %gather3A_609 = tpu.vector_load_idx %arg15[%broadcast_in_dim3A_581, %add3A_607, %add3A_579] : memref<2x64x128xf32, #tpu.memory_space<vmem>>[vector<16xi32>, vector<16xi32>, vector<16xi32>], vector<16xf32>,
      %mul3A_610 = arith.mulf %gather3A_608, %gather3A_609 : vector<16xf32>
      %add3A_611 = arith.addf %add3A_604, %mul3A_610 : vector<16xf32>
      %broadcast_in_dim3A_612 = arith.constant 0 : i32
      %broadcast_in_dim3A_613 = vector.broadcast %broadcast_in_dim3A_612 : i32 to vector<16xi32>
      %add3A_614 = arith.addi %broadcast_in_dim3A_613, %add3A_573 : vector<16xi32>
      %gather3A_615 = tpu.vector_load_idx %arg18[%add3A_614] : memref<256xf32, #tpu.memory_space<vmem>>[vector<16xi32>], vector<16xf32>,
      %broadcast_in_dim3A_616 = arith.constant 0 : i32
      %broadcast_in_dim3A_617 = vector.broadcast %broadcast_in_dim3A_616 : i32 to vector<16xi32>
      %add3A_618 = arith.addi %broadcast_in_dim3A_617, %add3A_579 : vector<16xi32>
      %gather3A_619 = tpu.vector_load_idx %arg19[%add3A_618] : memref<256xf32, #tpu.memory_space<vmem>>[vector<16xi32>], vector<16xf32>,
      %add3A_620 = arith.addf %gather3A_615, %gather3A_619 : vector<16xf32>
      %mul3A_621 = arith.constant 6.250000e-02 : f32
      %mul3A_622 = vector.broadcast %mul3A_621 : f32 to vector<16xf32>
      %mul3A_623 = arith.mulf %add3A_620, %mul3A_622 : vector<16xf32>
      %add3A_624 = arith.addf %add3A_611, %mul3A_623 : vector<16xf32>
      %add3A_625 = vector.broadcast %mul3A_5 : f32 to vector<16xf32>
      %add3A_626 = arith.addf %add3A_624, %add3A_625 : vector<16xf32>
      %add3A_627 = arith.constant 0 : i32
      %add3A_628 = arith.addi %add3A_467, %add3A_627 : i32
      %mul3A_629 = arith.constant 16 : i32
      %mul3A_630 = arith.muli %add3A_628, %mul3A_629 : i32
      %swap3A_631 = arith.index_cast %mul3A_630 : i32 to index
      %swap3A_632 = tpu.vector_load %arg20[%swap3A_631] {strides = array<i32>} : memref<8192xf32, #tpu.memory_space<vmem>>, vector<16xf32>,
      tpu.vector_store %arg20[%swap3A_631], %add3A_626 {strides = array<i32>} : memref<8192xf32, #tpu.memory_space<vmem>>, vector<16xf32>,
      %slice3A_633 = vector.extract_strided_slice %get3A_469 {offsets = [1], sizes = [1], strides = [1]} : vector<16xi32> to vector<1xi32>
      %squeeze3A_634 = vector.extract %slice3A_633[0] : i32 from vector<1xi32>
      %slice3A_635 = vector.extract_strided_slice %get3A_471 {offsets = [1], sizes = [1], strides = [1]} : vector<16xi32> to vector<1xi32>
      %squeeze3A_636 = vector.extract %slice3A_635[0] : i32 from vector<1xi32>
      %broadcast_in_dim3A_637 = arith.constant 0 : i32
      %broadcast_in_dim3A_638 = vector.broadcast %broadcast_in_dim3A_637 : i32 to vector<16xi32>
      %and3A_639 = arith.constant 127 : i32
      %and3A_640 = arith.andi %squeeze3A_634, %and3A_639 : i32
      %add3A_641 = vector.broadcast %and3A_640 : i32 to vector<16xi32>
      %add3A_642 = arith.addi %broadcast_in_dim3A_638, %add3A_641 : vector<16xi32>
      %broadcast_in_dim3A_643 = arith.constant 0 : i32
      %broadcast_in_dim3A_644 = vector.broadcast %broadcast_in_dim3A_643 : i32 to vector<16xi32>
      %and3A_645 = arith.constant 127 : i32
      %and3A_646 = arith.andi %squeeze3A_636, %and3A_645 : i32
      %add3A_647 = vector.broadcast %and3A_646 : i32 to vector<16xi32>
      %add3A_648 = arith.addi %broadcast_in_dim3A_644, %add3A_647 : vector<16xi32>
      %broadcast_in_dim3A_649 = arith.constant 1 : i32
      %broadcast_in_dim3A_650 = vector.broadcast %broadcast_in_dim3A_649 : i32 to vector<16xi32>
      %broadcast_in_dim3A_651 = arith.constant 0.000000e+00 : f32
      %broadcast_in_dim3A_652 = vector.broadcast %broadcast_in_dim3A_651 : f32 to vector<16xf32>
      %add3A_653 = arith.constant 0 : i32
      %add3A_654 = vector.broadcast %add3A_653 : i32 to vector<16xi32>
      %add3A_655 = arith.addi %add3A_654, %iota3A : vector<16xi32>
      %gather3A_656 = tpu.vector_load_idx %arg14[%broadcast_in_dim3A_650, %add3A_655, %add3A_642] : memref<2x64x128xf32, #tpu.memory_space<vmem>>[vector<16xi32>, vector<16xi32>, vector<16xi32>], vector<16xf32>,
      %gather3A_657 = tpu.vector_load_idx %arg15[%broadcast_in_dim3A_650, %add3A_655, %add3A_648] : memref<2x64x128xf32, #tpu.memory_space<vmem>>[vector<16xi32>, vector<16xi32>, vector<16xi32>], vector<16xf32>,
      %mul3A_658 = arith.mulf %gather3A_656, %gather3A_657 : vector<16xf32>
      %add3A_659 = arith.addf %broadcast_in_dim3A_652, %mul3A_658 : vector<16xf32>
      %add3A_660 = arith.constant 16 : i32
      %add3A_661 = vector.broadcast %add3A_660 : i32 to vector<16xi32>
      %add3A_662 = arith.addi %add3A_661, %iota3A : vector<16xi32>
      %gather3A_663 = tpu.vector_load_idx %arg14[%broadcast_in_dim3A_650, %add3A_662, %add3A_642] : memref<2x64x128xf32, #tpu.memory_space<vmem>>[vector<16xi32>, vector<16xi32>, vector<16xi32>], vector<16xf32>,
      %gather3A_664 = tpu.vector_load_idx %arg15[%broadcast_in_dim3A_650, %add3A_662, %add3A_648] : memref<2x64x128xf32, #tpu.memory_space<vmem>>[vector<16xi32>, vector<16xi32>, vector<16xi32>], vector<16xf32>,
      %mul3A_665 = arith.mulf %gather3A_663, %gather3A_664 : vector<16xf32>
      %add3A_666 = arith.addf %add3A_659, %mul3A_665 : vector<16xf32>
      %add3A_667 = arith.constant 32 : i32
      %add3A_668 = vector.broadcast %add3A_667 : i32 to vector<16xi32>
      %add3A_669 = arith.addi %add3A_668, %iota3A : vector<16xi32>
      %gather3A_670 = tpu.vector_load_idx %arg14[%broadcast_in_dim3A_650, %add3A_669, %add3A_642] : memref<2x64x128xf32, #tpu.memory_space<vmem>>[vector<16xi32>, vector<16xi32>, vector<16xi32>], vector<16xf32>,
      %gather3A_671 = tpu.vector_load_idx %arg15[%broadcast_in_dim3A_650, %add3A_669, %add3A_648] : memref<2x64x128xf32, #tpu.memory_space<vmem>>[vector<16xi32>, vector<16xi32>, vector<16xi32>], vector<16xf32>,
      %mul3A_672 = arith.mulf %gather3A_670, %gather3A_671 : vector<16xf32>
      %add3A_673 = arith.addf %add3A_666, %mul3A_672 : vector<16xf32>
      %add3A_674 = arith.constant 48 : i32
      %add3A_675 = vector.broadcast %add3A_674 : i32 to vector<16xi32>
      %add3A_676 = arith.addi %add3A_675, %iota3A : vector<16xi32>
      %gather3A_677 = tpu.vector_load_idx %arg14[%broadcast_in_dim3A_650, %add3A_676, %add3A_642] : memref<2x64x128xf32, #tpu.memory_space<vmem>>[vector<16xi32>, vector<16xi32>, vector<16xi32>], vector<16xf32>,
      %gather3A_678 = tpu.vector_load_idx %arg15[%broadcast_in_dim3A_650, %add3A_676, %add3A_648] : memref<2x64x128xf32, #tpu.memory_space<vmem>>[vector<16xi32>, vector<16xi32>, vector<16xi32>], vector<16xf32>,
      %mul3A_679 = arith.mulf %gather3A_677, %gather3A_678 : vector<16xf32>
      %add3A_680 = arith.addf %add3A_673, %mul3A_679 : vector<16xf32>
      %broadcast_in_dim3A_681 = arith.constant 128 : i32
      %broadcast_in_dim3A_682 = vector.broadcast %broadcast_in_dim3A_681 : i32 to vector<16xi32>
      %add3A_683 = arith.addi %broadcast_in_dim3A_682, %add3A_642 : vector<16xi32>
      %gather3A_684 = tpu.vector_load_idx %arg18[%add3A_683] : memref<256xf32, #tpu.memory_space<vmem>>[vector<16xi32>], vector<16xf32>,
      %broadcast_in_dim3A_685 = arith.constant 128 : i32
      %broadcast_in_dim3A_686 = vector.broadcast %broadcast_in_dim3A_685 : i32 to vector<16xi32>
      %add3A_687 = arith.addi %broadcast_in_dim3A_686, %add3A_648 : vector<16xi32>
      %gather3A_688 = tpu.vector_load_idx %arg19[%add3A_687] : memref<256xf32, #tpu.memory_space<vmem>>[vector<16xi32>], vector<16xf32>,
      %add3A_689 = arith.addf %gather3A_684, %gather3A_688 : vector<16xf32>
      %mul3A_690 = arith.constant 6.250000e-02 : f32
      %mul3A_691 = vector.broadcast %mul3A_690 : f32 to vector<16xf32>
      %mul3A_692 = arith.mulf %add3A_689, %mul3A_691 : vector<16xf32>
      %add3A_693 = arith.addf %add3A_680, %mul3A_692 : vector<16xf32>
      %add3A_694 = vector.broadcast %mul3A_5 : f32 to vector<16xf32>
      %add3A_695 = arith.addf %add3A_693, %add3A_694 : vector<16xf32>
      %add3A_696 = arith.constant 1 : i32
      %add3A_697 = arith.addi %add3A_467, %add3A_696 : i32
      %mul3A_698 = arith.constant 16 : i32
      %mul3A_699 = arith.muli %add3A_697, %mul3A_698 : i32
      %swap3A_700 = arith.index_cast %mul3A_699 : i32 to index
      %swap3A_701 = tpu.vector_load %arg20[%swap3A_700] {strides = array<i32>} : memref<8192xf32, #tpu.memory_space<vmem>>, vector<16xf32>,
      tpu.vector_store %arg20[%swap3A_700], %add3A_695 {strides = array<i32>} : memref<8192xf32, #tpu.memory_space<vmem>>, vector<16xf32>,
      %lt3A_702 = arith.constant 127 : i32
      %lt3A_703 = arith.cmpi slt, %scan3A_230, %lt3A_702 : i32
      %convert_element_type3A_704 = arith.extui %lt3A_703 : i1 to i32
      %cond3A_705 = arith.constant 0 : i32
      %cond3A_706 = arith.cmpi ne, %convert_element_type3A_704, %cond3A_705 : i32
      scf.if %cond3A_706 {
        %add3A_707 = arith.constant 4 : i32
        %add3A_708 = arith.addi %add3A_467, %add3A_707 : i32
        %get3A_709 = arith.index_cast %add3A_708 : i32 to index
        %get3A_710 = tpu.vector_load %arg10[%get3A_709] {strides = array<i32>} : memref<544xi32, #tpu.memory_space<vmem>>, vector<16xi32>,
        %add3A_711 = arith.constant 4 : i32
        %add3A_712 = arith.addi %add3A_467, %add3A_711 : i32
        %get3A_713 = arith.index_cast %add3A_712 : i32 to index
        %get3A_714 = tpu.vector_load %arg11[%get3A_713] {strides = array<i32>} : memref<544xi32, #tpu.memory_space<vmem>>, vector<16xi32>,
        %slice3A_715 = vector.extract_strided_slice %get3A_710 {offsets = [0], sizes = [1], strides = [1]} : vector<16xi32> to vector<1xi32>
        %squeeze3A_716 = vector.extract %slice3A_715[0] : i32 from vector<1xi32>
        %slice3A_717 = vector.extract_strided_slice %get3A_714 {offsets = [0], sizes = [1], strides = [1]} : vector<16xi32> to vector<1xi32>
        %squeeze3A_718 = vector.extract %slice3A_717[0] : i32 from vector<1xi32>
        %shift_right_logical3A_719 = arith.constant 7 : i32
        %shift_right_logical3A_720 = arith.shrui %squeeze3A_716, %shift_right_logical3A_719 : i32
        %mul3A_721 = arith.constant 128 : i32
        %mul3A_722 = arith.muli %shift_right_logical3A_720, %mul3A_721 : i32
        %multiple_of3A_723 = tpu.assume_multiple %mul3A_722, 128 : i32
        %shift_right_logical3A_724 = arith.constant 7 : i32
        %shift_right_logical3A_725 = arith.shrui %squeeze3A_718, %shift_right_logical3A_724 : i32
        %mul3A_726 = arith.constant 128 : i32
        %mul3A_727 = arith.muli %shift_right_logical3A_725, %mul3A_726 : i32
        %multiple_of3A_728 = tpu.assume_multiple %mul3A_727, 128 : i32
        %dma_start3A_729 = arith.constant 0 : i32
        %dma_start3A_730 = arith.constant 0 : i32
        %dma_start3A_731 = arith.constant 0 : i32
        %dma_start3A_732 = tpu.memref_slice %arg14[%dma_start3A_729, %dma_start3A_730, %dma_start3A_731] : memref<2x64x128xf32, #tpu.memory_space<vmem>> -> memref<1x64x128xf32, #tpu.memory_space<vmem>>
        %dma_start3A_733 = tpu.memref_squeeze %dma_start3A_732 : memref<1x64x128xf32, #tpu.memory_space<vmem>> -> memref<64x128xf32, #tpu.memory_space<vmem>>
        %dma_start3A_734 = arith.constant 0 : i32
        %dma_start3A_735 = tpu.memref_slice %arg4[%dma_start3A_734, %multiple_of3A_723] : memref<64x1000000xf32, #tpu.memory_space<hbm>> -> memref<64x128xf32, #tpu.memory_space<hbm>>
        %dma_start3A_736 = arith.constant 0 : i32
        %dma_start3A_737 = arith.constant 0 : i32
        %dma_start3A_738 = tpu.memref_slice %arg14[%dma_start3A_729, %dma_start3A_736, %dma_start3A_737] : memref<2x64x128xf32, #tpu.memory_space<vmem>> -> memref<1x64x128xf32, #tpu.memory_space<vmem>>
        %dma_start3A_739 = tpu.memref_squeeze %dma_start3A_738 : memref<1x64x128xf32, #tpu.memory_space<vmem>> -> memref<64x128xf32, #tpu.memory_space<vmem>>
        %dma_start3A_740 = arith.constant 0 : i32
        %dma_start3A_741 = tpu.memref_slice %arg4[%dma_start3A_740, %multiple_of3A_723] : memref<64x1000000xf32, #tpu.memory_space<hbm>> -> memref<64x128xf32, #tpu.memory_space<hbm>>
        tpu.enqueue_dma source(%dma_start3A_741 : memref<64x128xf32, #tpu.memory_space<hbm>>) target(%dma_start3A_739 : memref<64x128xf32, #tpu.memory_space<vmem>>) target_semaphore(%arg24 : memref<!tpu.dma_semaphore, #tpu.memory_space<semaphore_mem>>)
        %dma_start3A_742 = arith.constant 0 : i32
        %dma_start3A_743 = arith.constant 0 : i32
        %dma_start3A_744 = arith.constant 0 : i32
        %dma_start3A_745 = tpu.memref_slice %arg15[%dma_start3A_742, %dma_start3A_743, %dma_start3A_744] : memref<2x64x128xf32, #tpu.memory_space<vmem>> -> memref<1x64x128xf32, #tpu.memory_space<vmem>>
        %dma_start3A_746 = tpu.memref_squeeze %dma_start3A_745 : memref<1x64x128xf32, #tpu.memory_space<vmem>> -> memref<64x128xf32, #tpu.memory_space<vmem>>
        %dma_start3A_747 = arith.constant 0 : i32
        %dma_start3A_748 = tpu.memref_slice %arg6[%dma_start3A_747, %multiple_of3A_728] : memref<64x1000000xf32, #tpu.memory_space<hbm>> -> memref<64x128xf32, #tpu.memory_space<hbm>>
        %dma_start3A_749 = arith.constant 0 : i32
        %dma_start3A_750 = arith.constant 0 : i32
        %dma_start3A_751 = tpu.memref_slice %arg15[%dma_start3A_742, %dma_start3A_749, %dma_start3A_750] : memref<2x64x128xf32, #tpu.memory_space<vmem>> -> memref<1x64x128xf32, #tpu.memory_space<vmem>>
        %dma_start3A_752 = tpu.memref_squeeze %dma_start3A_751 : memref<1x64x128xf32, #tpu.memory_space<vmem>> -> memref<64x128xf32, #tpu.memory_space<vmem>>
        %dma_start3A_753 = arith.constant 0 : i32
        %dma_start3A_754 = tpu.memref_slice %arg6[%dma_start3A_753, %multiple_of3A_728] : memref<64x1000000xf32, #tpu.memory_space<hbm>> -> memref<64x128xf32, #tpu.memory_space<hbm>>
        tpu.enqueue_dma source(%dma_start3A_754 : memref<64x128xf32, #tpu.memory_space<hbm>>) target(%dma_start3A_752 : memref<64x128xf32, #tpu.memory_space<vmem>>) target_semaphore(%arg24 : memref<!tpu.dma_semaphore, #tpu.memory_space<semaphore_mem>>)
        %dma_start3A_755 = arith.constant 0 : i32
        %dma_start3A_756 = tpu.memref_slice %arg18[%dma_start3A_755] : memref<256xf32, #tpu.memory_space<vmem>> -> memref<128xf32, #tpu.memory_space<vmem>>
        %dma_start3A_757 = tpu.memref_slice %arg5[%multiple_of3A_723] : memref<1000000xf32, #tpu.memory_space<hbm>> -> memref<128xf32, #tpu.memory_space<hbm>>
        %dma_start3A_758 = arith.constant 0 : i32
        %dma_start3A_759 = tpu.memref_slice %arg18[%dma_start3A_758] : memref<256xf32, #tpu.memory_space<vmem>> -> memref<128xf32, #tpu.memory_space<vmem>>
        %dma_start3A_760 = tpu.memref_slice %arg5[%multiple_of3A_723] : memref<1000000xf32, #tpu.memory_space<hbm>> -> memref<128xf32, #tpu.memory_space<hbm>>
        tpu.enqueue_dma source(%dma_start3A_760 : memref<128xf32, #tpu.memory_space<hbm>>) target(%dma_start3A_759 : memref<128xf32, #tpu.memory_space<vmem>>) target_semaphore(%arg24 : memref<!tpu.dma_semaphore, #tpu.memory_space<semaphore_mem>>)
        %dma_start3A_761 = arith.constant 0 : i32
        %dma_start3A_762 = tpu.memref_slice %arg19[%dma_start3A_761] : memref<256xf32, #tpu.memory_space<vmem>> -> memref<128xf32, #tpu.memory_space<vmem>>
        %dma_start3A_763 = tpu.memref_slice %arg7[%multiple_of3A_728] : memref<1000000xf32, #tpu.memory_space<hbm>> -> memref<128xf32, #tpu.memory_space<hbm>>
        %dma_start3A_764 = arith.constant 0 : i32
        %dma_start3A_765 = tpu.memref_slice %arg19[%dma_start3A_764] : memref<256xf32, #tpu.memory_space<vmem>> -> memref<128xf32, #tpu.memory_space<vmem>>
        %dma_start3A_766 = tpu.memref_slice %arg7[%multiple_of3A_728] : memref<1000000xf32, #tpu.memory_space<hbm>> -> memref<128xf32, #tpu.memory_space<hbm>>
        tpu.enqueue_dma source(%dma_start3A_766 : memref<128xf32, #tpu.memory_space<hbm>>) target(%dma_start3A_765 : memref<128xf32, #tpu.memory_space<vmem>>) target_semaphore(%arg24 : memref<!tpu.dma_semaphore, #tpu.memory_space<semaphore_mem>>)
        %slice3A_767 = vector.extract_strided_slice %get3A_710 {offsets = [1], sizes = [1], strides = [1]} : vector<16xi32> to vector<1xi32>
        %squeeze3A_768 = vector.extract %slice3A_767[0] : i32 from vector<1xi32>
        %slice3A_769 = vector.extract_strided_slice %get3A_714 {offsets = [1], sizes = [1], strides = [1]} : vector<16xi32> to vector<1xi32>
        %squeeze3A_770 = vector.extract %slice3A_769[0] : i32 from vector<1xi32>
        %shift_right_logical3A_771 = arith.constant 7 : i32
        %shift_right_logical3A_772 = arith.shrui %squeeze3A_768, %shift_right_logical3A_771 : i32
        %mul3A_773 = arith.constant 128 : i32
        %mul3A_774 = arith.muli %shift_right_logical3A_772, %mul3A_773 : i32
        %multiple_of3A_775 = tpu.assume_multiple %mul3A_774, 128 : i32
        %shift_right_logical3A_776 = arith.constant 7 : i32
        %shift_right_logical3A_777 = arith.shrui %squeeze3A_770, %shift_right_logical3A_776 : i32
        %mul3A_778 = arith.constant 128 : i32
        %mul3A_779 = arith.muli %shift_right_logical3A_777, %mul3A_778 : i32
        %multiple_of3A_780 = tpu.assume_multiple %mul3A_779, 128 : i32
        %dma_start3A_781 = arith.constant 1 : i32
        %dma_start3A_782 = arith.constant 0 : i32
        %dma_start3A_783 = arith.constant 0 : i32
        %dma_start3A_784 = tpu.memref_slice %arg14[%dma_start3A_781, %dma_start3A_782, %dma_start3A_783] : memref<2x64x128xf32, #tpu.memory_space<vmem>> -> memref<1x64x128xf32, #tpu.memory_space<vmem>>
        %dma_start3A_785 = tpu.memref_squeeze %dma_start3A_784 : memref<1x64x128xf32, #tpu.memory_space<vmem>> -> memref<64x128xf32, #tpu.memory_space<vmem>>
        %dma_start3A_786 = arith.constant 0 : i32
        %dma_start3A_787 = tpu.memref_slice %arg4[%dma_start3A_786, %multiple_of3A_775] : memref<64x1000000xf32, #tpu.memory_space<hbm>> -> memref<64x128xf32, #tpu.memory_space<hbm>>
        %dma_start3A_788 = arith.constant 0 : i32
        %dma_start3A_789 = arith.constant 0 : i32
        %dma_start3A_790 = tpu.memref_slice %arg14[%dma_start3A_781, %dma_start3A_788, %dma_start3A_789] : memref<2x64x128xf32, #tpu.memory_space<vmem>> -> memref<1x64x128xf32, #tpu.memory_space<vmem>>
        %dma_start3A_791 = tpu.memref_squeeze %dma_start3A_790 : memref<1x64x128xf32, #tpu.memory_space<vmem>> -> memref<64x128xf32, #tpu.memory_space<vmem>>
        %dma_start3A_792 = arith.constant 0 : i32
        %dma_start3A_793 = tpu.memref_slice %arg4[%dma_start3A_792, %multiple_of3A_775] : memref<64x1000000xf32, #tpu.memory_space<hbm>> -> memref<64x128xf32, #tpu.memory_space<hbm>>
        tpu.enqueue_dma source(%dma_start3A_793 : memref<64x128xf32, #tpu.memory_space<hbm>>) target(%dma_start3A_791 : memref<64x128xf32, #tpu.memory_space<vmem>>) target_semaphore(%arg24 : memref<!tpu.dma_semaphore, #tpu.memory_space<semaphore_mem>>)
        %dma_start3A_794 = arith.constant 1 : i32
        %dma_start3A_795 = arith.constant 0 : i32
        %dma_start3A_796 = arith.constant 0 : i32
        %dma_start3A_797 = tpu.memref_slice %arg15[%dma_start3A_794, %dma_start3A_795, %dma_start3A_796] : memref<2x64x128xf32, #tpu.memory_space<vmem>> -> memref<1x64x128xf32, #tpu.memory_space<vmem>>
        %dma_start3A_798 = tpu.memref_squeeze %dma_start3A_797 : memref<1x64x128xf32, #tpu.memory_space<vmem>> -> memref<64x128xf32, #tpu.memory_space<vmem>>
        %dma_start3A_799 = arith.constant 0 : i32
        %dma_start3A_800 = tpu.memref_slice %arg6[%dma_start3A_799, %multiple_of3A_780] : memref<64x1000000xf32, #tpu.memory_space<hbm>> -> memref<64x128xf32, #tpu.memory_space<hbm>>
        %dma_start3A_801 = arith.constant 0 : i32
        %dma_start3A_802 = arith.constant 0 : i32
        %dma_start3A_803 = tpu.memref_slice %arg15[%dma_start3A_794, %dma_start3A_801, %dma_start3A_802] : memref<2x64x128xf32, #tpu.memory_space<vmem>> -> memref<1x64x128xf32, #tpu.memory_space<vmem>>
        %dma_start3A_804 = tpu.memref_squeeze %dma_start3A_803 : memref<1x64x128xf32, #tpu.memory_space<vmem>> -> memref<64x128xf32, #tpu.memory_space<vmem>>
        %dma_start3A_805 = arith.constant 0 : i32
        %dma_start3A_806 = tpu.memref_slice %arg6[%dma_start3A_805, %multiple_of3A_780] : memref<64x1000000xf32, #tpu.memory_space<hbm>> -> memref<64x128xf32, #tpu.memory_space<hbm>>
        tpu.enqueue_dma source(%dma_start3A_806 : memref<64x128xf32, #tpu.memory_space<hbm>>) target(%dma_start3A_804 : memref<64x128xf32, #tpu.memory_space<vmem>>) target_semaphore(%arg24 : memref<!tpu.dma_semaphore, #tpu.memory_space<semaphore_mem>>)
        %dma_start3A_807 = arith.constant 128 : i32
        %dma_start3A_808 = tpu.memref_slice %arg18[%dma_start3A_807] : memref<256xf32, #tpu.memory_space<vmem>> -> memref<128xf32, #tpu.memory_space<vmem>>
        %dma_start3A_809 = tpu.memref_slice %arg5[%multiple_of3A_775] : memref<1000000xf32, #tpu.memory_space<hbm>> -> memref<128xf32, #tpu.memory_space<hbm>>
        %dma_start3A_810 = arith.constant 128 : i32
        %dma_start3A_811 = tpu.memref_slice %arg18[%dma_start3A_810] : memref<256xf32, #tpu.memory_space<vmem>> -> memref<128xf32, #tpu.memory_space<vmem>>
        %dma_start3A_812 = tpu.memref_slice %arg5[%multiple_of3A_775] : memref<1000000xf32, #tpu.memory_space<hbm>> -> memref<128xf32, #tpu.memory_space<hbm>>
        tpu.enqueue_dma source(%dma_start3A_812 : memref<128xf32, #tpu.memory_space<hbm>>) target(%dma_start3A_811 : memref<128xf32, #tpu.memory_space<vmem>>) target_semaphore(%arg24 : memref<!tpu.dma_semaphore, #tpu.memory_space<semaphore_mem>>)
        %dma_start3A_813 = arith.constant 128 : i32
        %dma_start3A_814 = tpu.memref_slice %arg19[%dma_start3A_813] : memref<256xf32, #tpu.memory_space<vmem>> -> memref<128xf32, #tpu.memory_space<vmem>>
        %dma_start3A_815 = tpu.memref_slice %arg7[%multiple_of3A_780] : memref<1000000xf32, #tpu.memory_space<hbm>> -> memref<128xf32, #tpu.memory_space<hbm>>
        %dma_start3A_816 = arith.constant 128 : i32
        %dma_start3A_817 = tpu.memref_slice %arg19[%dma_start3A_816] : memref<256xf32, #tpu.memory_space<vmem>> -> memref<128xf32, #tpu.memory_space<vmem>>
        %dma_start3A_818 = tpu.memref_slice %arg7[%multiple_of3A_780] : memref<1000000xf32, #tpu.memory_space<hbm>> -> memref<128xf32, #tpu.memory_space<hbm>>
        tpu.enqueue_dma source(%dma_start3A_818 : memref<128xf32, #tpu.memory_space<hbm>>) target(%dma_start3A_817 : memref<128xf32, #tpu.memory_space<vmem>>) target_semaphore(%arg24 : memref<!tpu.dma_semaphore, #tpu.memory_space<semaphore_mem>>)
      } else {
      }
    }
    %scan3A_223 = arith.constant 128 : i32
    %scan3A_224 = arith.constant 0 : i32
    %scan3A_225 = arith.constant 0 : i32
    %scan3A_226 = arith.constant 32 : i32
    %scan3A_227 = arith.addi %scan3A_225, %scan3A_226 : i32
    %scan3A_228 = arith.constant 1 : i32
    scf.for %scan3A_230 = %scan3A_225 to %scan3A_227 step %scan3A_228  : i32 {
      %mul3A_231 = arith.constant 16 : i32
      %mul3A_232 = arith.muli %scan3A_230, %mul3A_231 : i32
      %add3A_233 = vector.broadcast %mul3A_232 : i32 to vector<16xi32>
      %add3A_234 = arith.addi %add3A_233, %iota3A : vector<16xi32>
      %mul3A_235 = arith.constant 16 : i32
      %mul3A_236 = vector.broadcast %mul3A_235 : i32 to vector<16xi32>
      %mul3A_237 = arith.muli %add3A_234, %mul3A_236 : vector<16xi32>
      %broadcast_in_dim3A = arith.constant 0.000000e+00 : f32
      %broadcast_in_dim3A_238 = vector.broadcast %broadcast_in_dim3A : f32 to vector<16xf32>
      %broadcast_in_dim3A_239 = arith.constant 0 : i32
      %broadcast_in_dim3A_240 = vector.broadcast %broadcast_in_dim3A_239 : i32 to vector<16xi32>
      %add3A_241 = arith.addi %mul3A_237, %broadcast_in_dim3A_240 : vector<16xi32>
      %gather3A = tpu.vector_load_idx %arg20[%add3A_241] : memref<8192xf32, #tpu.memory_space<vmem>>[vector<16xi32>], vector<16xf32>,
      %add3A_242 = arith.addf %broadcast_in_dim3A_238, %gather3A : vector<16xf32>
      %broadcast_in_dim3A_243 = arith.constant 1 : i32
      %broadcast_in_dim3A_244 = vector.broadcast %broadcast_in_dim3A_243 : i32 to vector<16xi32>
      %add3A_245 = arith.addi %mul3A_237, %broadcast_in_dim3A_244 : vector<16xi32>
      %gather3A_246 = tpu.vector_load_idx %arg20[%add3A_245] : memref<8192xf32, #tpu.memory_space<vmem>>[vector<16xi32>], vector<16xf32>,
      %add3A_247 = arith.addf %add3A_242, %gather3A_246 : vector<16xf32>
      %broadcast_in_dim3A_248 = arith.constant 2 : i32
      %broadcast_in_dim3A_249 = vector.broadcast %broadcast_in_dim3A_248 : i32 to vector<16xi32>
      %add3A_250 = arith.addi %mul3A_237, %broadcast_in_dim3A_249 : vector<16xi32>
      %gather3A_251 = tpu.vector_load_idx %arg20[%add3A_250] : memref<8192xf32, #tpu.memory_space<vmem>>[vector<16xi32>], vector<16xf32>,
      %add3A_252 = arith.addf %add3A_247, %gather3A_251 : vector<16xf32>
      %broadcast_in_dim3A_253 = arith.constant 3 : i32
      %broadcast_in_dim3A_254 = vector.broadcast %broadcast_in_dim3A_253 : i32 to vector<16xi32>
      %add3A_255 = arith.addi %mul3A_237, %broadcast_in_dim3A_254 : vector<16xi32>
      %gather3A_256 = tpu.vector_load_idx %arg20[%add3A_255] : memref<8192xf32, #tpu.memory_space<vmem>>[vector<16xi32>], vector<16xf32>,
      %add3A_257 = arith.addf %add3A_252, %gather3A_256 : vector<16xf32>
      %broadcast_in_dim3A_258 = arith.constant 4 : i32
      %broadcast_in_dim3A_259 = vector.broadcast %broadcast_in_dim3A_258 : i32 to vector<16xi32>
      %add3A_260 = arith.addi %mul3A_237, %broadcast_in_dim3A_259 : vector<16xi32>
      %gather3A_261 = tpu.vector_load_idx %arg20[%add3A_260] : memref<8192xf32, #tpu.memory_space<vmem>>[vector<16xi32>], vector<16xf32>,
      %add3A_262 = arith.addf %add3A_257, %gather3A_261 : vector<16xf32>
      %broadcast_in_dim3A_263 = arith.constant 5 : i32
      %broadcast_in_dim3A_264 = vector.broadcast %broadcast_in_dim3A_263 : i32 to vector<16xi32>
      %add3A_265 = arith.addi %mul3A_237, %broadcast_in_dim3A_264 : vector<16xi32>
      %gather3A_266 = tpu.vector_load_idx %arg20[%add3A_265] : memref<8192xf32, #tpu.memory_space<vmem>>[vector<16xi32>], vector<16xf32>,
      %add3A_267 = arith.addf %add3A_262, %gather3A_266 : vector<16xf32>
      %broadcast_in_dim3A_268 = arith.constant 6 : i32
      %broadcast_in_dim3A_269 = vector.broadcast %broadcast_in_dim3A_268 : i32 to vector<16xi32>
      %add3A_270 = arith.addi %mul3A_237, %broadcast_in_dim3A_269 : vector<16xi32>
      %gather3A_271 = tpu.vector_load_idx %arg20[%add3A_270] : memref<8192xf32, #tpu.memory_space<vmem>>[vector<16xi32>], vector<16xf32>,
      %add3A_272 = arith.addf %add3A_267, %gather3A_271 : vector<16xf32>
      %broadcast_in_dim3A_273 = arith.constant 7 : i32
      %broadcast_in_dim3A_274 = vector.broadcast %broadcast_in_dim3A_273 : i32 to vector<16xi32>
      %add3A_275 = arith.addi %mul3A_237, %broadcast_in_dim3A_274 : vector<16xi32>
      %gather3A_276 = tpu.vector_load_idx %arg20[%add3A_275] : memref<8192xf32, #tpu.memory_space<vmem>>[vector<16xi32>], vector<16xf32>,
      %add3A_277 = arith.addf %add3A_272, %gather3A_276 : vector<16xf32>
      %broadcast_in_dim3A_278 = arith.constant 8 : i32
      %broadcast_in_dim3A_279 = vector.broadcast %broadcast_in_dim3A_278 : i32 to vector<16xi32>
      %add3A_280 = arith.addi %mul3A_237, %broadcast_in_dim3A_279 : vector<16xi32>
      %gather3A_281 = tpu.vector_load_idx %arg20[%add3A_280] : memref<8192xf32, #tpu.memory_space<vmem>>[vector<16xi32>], vector<16xf32>,
      %add3A_282 = arith.addf %add3A_277, %gather3A_281 : vector<16xf32>
      %broadcast_in_dim3A_283 = arith.constant 9 : i32
      %broadcast_in_dim3A_284 = vector.broadcast %broadcast_in_dim3A_283 : i32 to vector<16xi32>
      %add3A_285 = arith.addi %mul3A_237, %broadcast_in_dim3A_284 : vector<16xi32>
      %gather3A_286 = tpu.vector_load_idx %arg20[%add3A_285] : memref<8192xf32, #tpu.memory_space<vmem>>[vector<16xi32>], vector<16xf32>,
      %add3A_287 = arith.addf %add3A_282, %gather3A_286 : vector<16xf32>
      %broadcast_in_dim3A_288 = arith.constant 10 : i32
      %broadcast_in_dim3A_289 = vector.broadcast %broadcast_in_dim3A_288 : i32 to vector<16xi32>
      %add3A_290 = arith.addi %mul3A_237, %broadcast_in_dim3A_289 : vector<16xi32>
      %gather3A_291 = tpu.vector_load_idx %arg20[%add3A_290] : memref<8192xf32, #tpu.memory_space<vmem>>[vector<16xi32>], vector<16xf32>,
      %add3A_292 = arith.addf %add3A_287, %gather3A_291 : vector<16xf32>
      %broadcast_in_dim3A_293 = arith.constant 11 : i32
      %broadcast_in_dim3A_294 = vector.broadcast %broadcast_in_dim3A_293 : i32 to vector<16xi32>
      %add3A_295 = arith.addi %mul3A_237, %broadcast_in_dim3A_294 : vector<16xi32>
      %gather3A_296 = tpu.vector_load_idx %arg20[%add3A_295] : memref<8192xf32, #tpu.memory_space<vmem>>[vector<16xi32>], vector<16xf32>,
      %add3A_297 = arith.addf %add3A_292, %gather3A_296 : vector<16xf32>
      %broadcast_in_dim3A_298 = arith.constant 12 : i32
      %broadcast_in_dim3A_299 = vector.broadcast %broadcast_in_dim3A_298 : i32 to vector<16xi32>
      %add3A_300 = arith.addi %mul3A_237, %broadcast_in_dim3A_299 : vector<16xi32>
      %gather3A_301 = tpu.vector_load_idx %arg20[%add3A_300] : memref<8192xf32, #tpu.memory_space<vmem>>[vector<16xi32>], vector<16xf32>,
      %add3A_302 = arith.addf %add3A_297, %gather3A_301 : vector<16xf32>
      %broadcast_in_dim3A_303 = arith.constant 13 : i32
      %broadcast_in_dim3A_304 = vector.broadcast %broadcast_in_dim3A_303 : i32 to vector<16xi32>
      %add3A_305 = arith.addi %mul3A_237, %broadcast_in_dim3A_304 : vector<16xi32>
      %gather3A_306 = tpu.vector_load_idx %arg20[%add3A_305] : memref<8192xf32, #tpu.memory_space<vmem>>[vector<16xi32>], vector<16xf32>,
      %add3A_307 = arith.addf %add3A_302, %gather3A_306 : vector<16xf32>
      %broadcast_in_dim3A_308 = arith.constant 14 : i32
      %broadcast_in_dim3A_309 = vector.broadcast %broadcast_in_dim3A_308 : i32 to vector<16xi32>
      %add3A_310 = arith.addi %mul3A_237, %broadcast_in_dim3A_309 : vector<16xi32>
      %gather3A_311 = tpu.vector_load_idx %arg20[%add3A_310] : memref<8192xf32, #tpu.memory_space<vmem>>[vector<16xi32>], vector<16xf32>,
      %add3A_312 = arith.addf %add3A_307, %gather3A_311 : vector<16xf32>
      %broadcast_in_dim3A_313 = arith.constant 15 : i32
      %broadcast_in_dim3A_314 = vector.broadcast %broadcast_in_dim3A_313 : i32 to vector<16xi32>
      %add3A_315 = arith.addi %mul3A_237, %broadcast_in_dim3A_314 : vector<16xi32>
      %gather3A_316 = tpu.vector_load_idx %arg20[%add3A_315] : memref<8192xf32, #tpu.memory_space<vmem>>[vector<16xi32>], vector<16xf32>,
      %add3A_317 = arith.addf %add3A_312, %gather3A_316 : vector<16xf32>
      %mul3A_318 = arith.constant 16 : i32
      %mul3A_319 = arith.muli %scan3A_230, %mul3A_318 : i32
      %swap3A = arith.index_cast %mul3A_319 : i32 to index
      %swap3A_320 = tpu.vector_load %arg21[%swap3A] {strides = array<i32>} : memref<512xf32, #tpu.memory_space<vmem>>, vector<16xf32>,
      tpu.vector_store %arg21[%swap3A], %add3A_317 {strides = array<i32>} : memref<512xf32, #tpu.memory_space<vmem>>, vector<16xf32>,
    }
    %scan3A_229 = arith.constant 32 : i32
    "tpu.region"() ({
      %run_scoped3A = tpu.sem_alloc : memref<!tpu.dma_semaphore, #tpu.memory_space<semaphore_mem>>
      %dma_start3A_230 = tpu.memref_slice %arg9[%mul3A_2] : memref<16384xf32, #tpu.memory_space<hbm>> -> memref<512xf32, #tpu.memory_space<hbm>>
      %dma_start3A_231 = tpu.memref_slice %arg9[%mul3A_2] : memref<16384xf32, #tpu.memory_space<hbm>> -> memref<512xf32, #tpu.memory_space<hbm>>
      tpu.enqueue_dma source(%arg21 : memref<512xf32, #tpu.memory_space<vmem>>) target(%dma_start3A_231 : memref<512xf32, #tpu.memory_space<hbm>>) target_semaphore(%run_scoped3A : memref<!tpu.dma_semaphore, #tpu.memory_space<semaphore_mem>>)
      %dma_wait3A = tpu.memref_slice %arg9[%mul3A_2] : memref<16384xf32, #tpu.memory_space<hbm>> -> memref<512xf32, #tpu.memory_space<hbm>>
      %dma_wait3A_232 = tpu.memref_slice %arg9[%mul3A_2] : memref<16384xf32, #tpu.memory_space<hbm>> -> memref<512xf32, #tpu.memory_space<hbm>>
      tpu.wait_dma2 semaphore(%run_scoped3A : memref<!tpu.dma_semaphore, #tpu.memory_space<semaphore_mem>>) src(%arg21 : memref<512xf32, #tpu.memory_space<vmem>>) dst(%dma_wait3A_232 : memref<512xf32, #tpu.memory_space<hbm>>)
      tpu.yield
    }) : () -> ()
    return
  }
}

</mosaic_0001>

<sc_bundles>
// kernel: kernel.3.cloned.1.call-start
scs
__scs_entry_jumppad:
0x0: {  	(pc) =	sbr.rel $0x88, $3  }
0x1: {  	(tag) =	ssettag $0x0;
	lr =	simm.s32 $0x1  }
0x2: {  	[smem:$0x3F9A] =	sst lr;
	_ =	strace $0xD0000000  }
0x3: {  	_ = 	snop  }
0x4: {  	_ = 	snop  }
0x5: {  	_ = 	snop  }
0x6: {  	_ = 	snop  }
0x7: {  	_ = 	snop  }
__scs_overlays_trampoline_lowered:
0x8: {  	[smem:$0x3FA9] =	sst s0  }
0x9: {  	[smem:$0x3FAA] =	sst s1  }
0xa: {  	[smem:$0x3FAB] =	sst s2  }
0xb: {  	[smem:$0x3FAC] =	sst s3  }
0xc: {  	[smem:$0x3FAD] =	sst s4  }
0xd: {  	[smem:$0x3FAE] =	sst s5  }
0xe: {  	[smem:$0x3FAF] =	sst s6  }
0xf: {  	[smem:$0x3FB0] =	sst s7  }
0x10: {  	[smem:$0x3FB1] =	sst s8  }
0x11: {  	[smem:$0x3FB2] =	sst s9;
	s0 =	simm.s32 @!p0 $0x0  }
0x12: {  	s1 =	sld [smem:$0x3F98];
	s0 =	simm.s32 @p0 $0x1  }
0x13: {  	[smem:$0x3FB3] =	sst s0;
	s0 =	simm.s32 @!p1 $0x0  }
0x14: {  	s2 =	sld [smem:$0x3F97];
	s0 =	simm.s32 @p1 $0x1  }
0x15: {  	[smem:$0x3FB4] =	sst s0;
	s0 =	simm.s32 @!p2 $0x0  }
0x16: {  	s3 =	sld [smem:$0x3FDB];
	s0 =	simm.s32 @p2 $0x1  }
0x17: {  	s4 =	simm.s32 $0x1BF5;
	[smem:$0x3FB6] =	sst s0  }
0x18: {  	s0 =	sld [smem:$0x3F99];
	_ =	swait.ge [sflag:s4], $0x0  }
0x19: {  	s7 =	sld [smem:$0x3F9A]  }
0x1a: {  	s8 =	sadd.s32 $0xFFFFE003, lr  }
0x1b: {  	s9 =	sadd.s32 $0xFFFFFEF7, lr;
	s5 =	simm.s32 $0xFFFFFFFF;
	p2 =	slt.u32 s8, $0xFFFFF086  }
0x1c: {  	p1 =	slt.u32 s9, $0xF7A;
	s5 =	simm.s32 @!p2 $0x0  }
0x1d: {  	s5 =	simm.s32 @p1 $0x1;
	p0 =	seq.s32 s7, s2  }
0x1e: {  	s7 =	smul.u32 @!p0 $0xF7A, s2;
	p2 =	seq.s32 @!p0 s5, $0x0  }
0x1f: {  	s9 =	smul.u32 $0xF7A, s1;
	s8 =	simm.s32 @!p0 $0x1BF5;
	p2 =	por !p2, p0  }
0x20: {  	[sflag:s8] =	ssyncset.s32 @!p0 $0xFFFFF086;
	s6 =	sadd.s32 @!p0 s3, s7;
	s7 =	simm.s32 @!p0 $0x108  }
0x21: {  	s3 =	sadd.s32 s3, s9;
	s6 =	sadd.s32 @!p0 $0x88, s6;
	s7 =	simm.s32 @p2 $0x1082  }
0x22: {  	[simem:s7], [sflag:s8] =	dma.local @!p0 [hbm:s6], $0xF7A  }
0x23: {  	s9 =	sor.u32 $0xD0000000, s2;
	s6 =	simm.s32 $0x108;
	_ =	swait.ge @!p0 [sflag:s8], $0x0  }
0x24: {  	s3 =	sadd.s32 $0x88, s3;
	s6 =	simm.s32 @!p1 $0x1082;
	[sflag:s4] =	ssyncset.s32 $0xFFFFF086  }
0x25: {  	[simem:s6], [sflag:s4] =	dma.local [hbm:s3], $0xF7A  }
0x26: {  	[smem:$0x3F9A] =	sst s1;
	(tag) =	ssettag s2;
	_ =	strace s9  }
0x27: {  	s1 =	sld [smem:$0x3FAA]  }
0x28: {  	s2 =	sld [smem:$0x3FAB]  }
0x29: {  	s4 =	sld [smem:$0x3FAD]  }
0x2a: {  	p0 =	seq.s32 s5, $0x0;
	s5 =	sld [smem:$0x3FAE]  }
0x2b: {  	s6 =	sld [smem:$0x3FAF]  }
0x2c: {  	s7 =	sld [smem:$0x3FB0]  }
0x2d: {  	s3 =	simm.s32 $0x108;
	s8 =	sld [smem:$0x3FB1]  }
0x2e: {  	s3 =	simm.s32 @!p0 $0x1082;
	s9 =	sld [smem:$0x3FB2]  }
0x2f: {  	lr =	sadd.s32 s0, s3;
	s0 =	sld [smem:$0x3FA9]  }
0x30: {  	s3 =	sld [smem:$0x3FAC]  }
0x31: {  	[smem:$0x3FB5] =	sst s10  }
0x32: {  	s10 =	sld [smem:$0x3FB3];
	_ =	sdelay $0x3  }
0x33: {  	p0 =	seq.s32 s10, $0x1;
	s10 =	sld [smem:$0x3FB5];
	_ =	sdelay $0x3  }
0x34: {  	[smem:$0x3FB5] =	sst s10  }
0x35: {  	s10 =	sld [smem:$0x3FB4];
	_ =	sdelay $0x3  }
0x36: {  	p1 =	seq.s32 s10, $0x1;
	s10 =	sld [smem:$0x3FB5];
	_ =	sdelay $0x3  }
0x37: {  	[smem:$0x3FB5] =	sst s10  }
0x38: {  	s10 =	sld [smem:$0x3FB6]  }
0x39: {  	_ = 	snop;
	(pc) =	sbr.ind lr, $3  }
0x3a: {  	_ = 	snop  }
0x3b: {  	_ = 	snop  }
0x3c: {  	p2 =	seq.s32 s10, $0x1;
	s10 =	sld [smem:$0x3FB5]  }
0x3d: {  	_ =	shalt  }
0x3e: {  	_ =	shalt  }
0x3f: {  	_ =	shalt  }
0x40: {  	_ =	shalt  }
0x41: {  	_ =	shalt  }
0x42: {  	_ =	shalt  }
0x43: {  	_ =	shalt  }
0x44: {  	_ =	shalt  }
0x45: {  	_ =	shalt  }
0x46: {  	_ =	shalt  }
0x47: {  	_ =	shalt  }
0x48: {  	_ =	shalt  }
0x49: {  	_ =	shalt  }
0x4a: {  	_ =	shalt  }
0x4b: {  	_ =	shalt  }
0x4c: {  	_ =	shalt  }
0x4d: {  	_ =	shalt  }
0x4e: {  	_ =	shalt  }
0x4f: {  	_ =	shalt  }
0x50: {  	_ =	shalt  }
0x51: {  	_ =	shalt  }
0x52: {  	_ =	shalt  }
0x53: {  	_ =	shalt  }
0x54: {  	_ =	shalt  }
0x55: {  	_ =	shalt  }
0x56: {  	_ =	shalt  }
0x57: {  	_ =	shalt  }
0x58: {  	_ =	shalt  }
0x59: {  	_ =	shalt  }
0x5a: {  	_ =	shalt  }
0x5b: {  	_ =	shalt  }
0x5c: {  	_ =	shalt  }
0x5d: {  	_ =	shalt  }
0x5e: {  	_ =	shalt  }
0x5f: {  	_ =	shalt  }
0x60: {  	_ =	shalt  }
0x61: {  	_ =	shalt  }
0x62: {  	_ =	shalt  }
0x63: {  	_ =	shalt  }
0x64: {  	_ =	shalt  }
0x65: {  	_ =	shalt  }
0x66: {  	_ =	shalt  }
0x67: {  	_ =	shalt  }
0x68: {  	_ =	shalt  }
0x69: {  	_ =	shalt  }
0x6a: {  	_ =	shalt  }
0x6b: {  	_ =	shalt  }
0x6c: {  	_ =	shalt  }
0x6d: {  	_ =	shalt  }
0x6e: {  	_ =	shalt  }
0x6f: {  	_ =	shalt  }
0x70: {  	_ =	shalt  }
0x71: {  	_ =	shalt  }
0x72: {  	_ =	shalt  }
0x73: {  	_ =	shalt  }
0x74: {  	_ =	shalt  }
0x75: {  	_ =	shalt  }
0x76: {  	_ =	shalt  }
0x77: {  	_ =	shalt  }
0x78: {  	_ =	shalt  }
0x79: {  	_ =	shalt  }
0x7a: {  	_ =	shalt  }
0x7b: {  	_ =	shalt  }
0x7c: {  	_ =	shalt  }
0x7d: {  	_ =	shalt  }
0x7e: {  	_ =	shalt  }
0x7f: {  	_ =	shalt  }
0x80: {  	_ =	shalt  }
0x81: {  	_ =	shalt  }
0x82: {  	_ =	shalt  }
0x83: {  	_ =	shalt  }
0x84: {  	_ =	shalt  }
0x85: {  	_ =	shalt  }
0x86: {  	_ =	shalt  }
0x87: {  	_ =	shalt  }
.Lfunc_end0:
.L_simem_size_0:
called_computation_lowered:
.L_overlay_start_0:
0x88: {  	s2 =	sld [smem:$0x3FD9]  }
0x89: {  	s3 =	sld [smem:$0x3FFE];
	_ =	sdelay $0x1  }
0x8a: {  	s1 =	srdreg.scid  }
0x8b: {  	s0 =	sand.u32 $0x1, s1  }
0x8c: {  	s17 =	sshll.u32 s0, $0xA;
	s2 =	sadd.s32 s3, s2  }
0x8d: {  	s2 =	sadd.s32 s2, s17  }
0x8e: {  	[smem:$0x3FC1] =	sst s2  }
0x8f: {  	_ = 	snop  }
0x90: {  	s2 =	sld [smem:$0x3FC9]  }
0x91: {  	s18 =	sld [smem:$0x3FC8]  }
0x92: {  	s4 =	sld [smem:$0x3FC7]  }
0x93: {  	s5 =	sld [smem:$0x3FC5]  }
0x94: {  	s6 =	sld [smem:$0x3FC3]  }
0x95: {  	s7 =	sld [smem:$0x3FD0];
	(tm) =	ssettm $0x1  }
0x96: {  	s8 =	sld [smem:$0x3FFB];
	_ =	sdelay $0x3  }
0x97: {  	_ =	strace s8  }
0x98: {  	s8 =	sld [smem:$0x3FFC];
	_ =	sdelay $0x3  }
0x99: {  	_ =	strace s8  }
0x9a: {  	s8 =	sld [smem:$0x3FFD];
	_ =	sdelay $0x3  }
0x9b: {  	_ =	strace s8  }
0x9c: {  	_ =	strace $0x8FFFFFFF  }
0x9d: {  	s19 =	sld [smem:$0x3FDB];
	_ =	sdelay $0x1  }
0x9e: {  	s9 =	simm.s32 $_scs_section_size  }
0x9f: {  	s10 =	simm.s32 $_size__tile_overlayer_lowered;
	s11 =	simm.s32 $_tile_overlayer_lowered  }
0xa0: {  	s22 =	simm.s32 $0x1BFF;
	s21 =	sshll.u32 s11, $0x1;
	s8 =	sadd.s32 s9, s19  }
0xa1: {  	s12 =	simm.s32 $0x0;
	s20 =	sshll.u32 s10, $0x1;
	s10 =	sadd.s32 s21, s8  }
0xa2: {  	[timem:s12], [sflag:s22] =	dma.local [hbm:s10], s20  }
0xa3: {  	_ =	swait.ge [sflag:s22], s20  }
0xa4: {  	s9 =	ssub.s32 $0x0, s20;
	[sflag:s22] =	ssyncset.done $0x0  }
0xa5: {  	[sflag:s22] =	ssyncadd.s32 s9;
	_ =	sdelay $0x1  }
0xa6: {  	s23 =	simm.s32 $0x1B8B  }
0xa7: {  	_ =	swait.ge [sflag:s23], $0x1  }
0xa8: {  	[sflag:s23] =	ssyncset.done $0x0  }
0xa9: {  	s25 =	simm.s32 $0x1B8E;
	s24 =	sld [smem:$0x3FFE];
	[sflag:s23] =	ssyncadd.s32 $0xFFFFFFFF  }
0xaa: {  	s26 =	simm.s32 $execute0_lowered;
	[smem:$0x3FD2] =	sst s25  }
0xab: {  	s10 =	sshll.u32 s26, $0x1;
	_ =	strace $0x80000046;
	[dreg:$0x1] =	wrdreg $0xFFFFFFFF  }
0xac: {  	s28 =	simm.s32 $_size_execute0_lowered;
	s8 =	sadd.s32 s8, s10;
	[dreg:$0x0] =	wrdreg $0x0  }
0xad: {  	s10 =	sshll.u32 s28, $0x1;
	[dreg:$0x2] =	wrdreg s8  }
0xae: {  	[dreg:$0x3] =	wrdreg s10  }
0xaf: {  	[dreg:$0x4] =	wrdreg $0xC0  }
0xb0: {  	_ =	task [dreg:s12], $0x5FFFF  }
0xb1: {  	[dreg:$0x1] =	wrdreg $0xFFFFFFFF  }
0xb2: {  	[dreg:$0x0] =	wrdreg $0x60  }
0xb3: {  	[dreg:$0x2] =	wrdreg s2  }
0xb4: {  	[dreg:$0x3] =	wrdreg s18  }
0xb5: {  	[dreg:$0x4] =	wrdreg s4  }
0xb6: {  	[dreg:$0x5] =	wrdreg s24  }
0xb7: {  	[dreg:$0x6] =	wrdreg s5  }
0xb8: {  	[dreg:$0x7] =	wrdreg s6  }
0xb9: {  	[dreg:$0x8] =	wrdreg s7  }
0xba: {  	[dreg:$0x9] =	wrdreg $0x9  }
0xbb: {  	_ =	task.clear_ibuf [dreg:s12], $0xAFFFF;
	_ =	strace $0x90000046  }
0xbc: {  	s29 =	simm.s32 $0x9;
	_ =	strace $0x80000048  }
0xbd: {  	_ =	swait.ge [sflag:s29], $0x1  }
0xbe: {  	[sflag:s29] =	ssyncadd.s32 $0xFFFFFFFF  }
0xbf: {  	_ =	strace $0x90000048  }
0xc0: {  	_ =	sfence  }
0xc1: {  	s30 =	sld [smem:$0x0];
	_ =	sdelay $0x2  }
0xc2: {  	s31 =	sshll.u32 s1, $0xD;
	s1 =	sshrl.u32 s1, $0x2  }
0xc3: {  	s3 =	sand.u32 $0x4000, s31;
	s1 =	sadd.s32 s1, s30  }
0xc4: {  	s0 =	sor.u32 s3, s0;
	s1 =	sshll.u32 s1, $0x11  }
0xc5: {  	s0 =	sor.u32 s1, s0  }
0xc6: {  	s0 =	sadd.s32 $0x8F2B, s0  }
0xc7: {  	[sflag:s0] =	ssyncadd.remote.s32 $0x1  }
0xc8: {  	_ =	sfence.sel $0xFFFF  }
0xc9: {  	[dreg:$0x0] =	wrdreg $0xFFFFFFFF;
	(pc) =	sbr.abs _section_cstart, $3  }
0xca: {  	[dreg:$0x1] =	wrdreg $0xFFFFFFFF  }
0xcb: {  	_ =	task.clear_ibuf [dreg:s12], $0x2FFFF;
	_ =	strace $0x9FFFFFFF  }
0xcc: {  	(tm) =	ssettm $0x7FFFFFFF  }
0xcd: {  	_ =	shalt  }
tec
execute0_lowered:
.L_overlay_start_1:
0x0: {  	(tag) =	ssettag $0x1  }
0x1: {  	s0 =	rddreg [dreg:$0x0]  }
0x2: {  	s4 =	rddreg [dreg:$0x1]  }
0x3: {  	s1 =	rddreg [dreg:$0x2]  }
0x4: {  	s2 =	rddreg [dreg:$0x3]  }
0x5: {  	s3 =	rddreg [dreg:$0x4]  }
0x6: {  	s6 =	rddreg [dreg:$0x6]  }
0x7: {  	s5 =	simm.s32 $0x0;
	s7 =	srdreg.scid;
	s10 =	stileid.u32  }
0x8: {  	s15 =	simm.s32 $0x400;
	s16 =	simm.s32 $0x7A1400;
	s17 =	simm.s32 $0x500  }
0x9: {  	s18 =	simm.s32 $0x4500;
	s19 =	simm.s32 $0x10500;
	s20 =	simm.s32 $0x10600  }
0xa: {  	s28 =	simm.s32 $0x10700;
	s29 =	simm.s32 $0x10800;
	s31 =	simm.s32 $0xE500  }
0xb: {  	s13 =	simm.s32 $0x2;
	s14 =	simm.s32 $0x10900;
	s7 =	sand.u32 $0x1, s7  }
0xc: {  	[smem:$0x7FF] =	sst s5;
	s10 =	sshll.u32 s10, $0x7;
	s8 =	ssub.s32 $0x2, s7  }
0xd: {  	_ =	strace $0x80000047;
	s11 =	sshll.u32 s7, $0x6;
	s9 =	sshrl.u32 s8, $0x1  }
0xe: {  	v8 =	vlaneseq.u32;
	s7 =	sadd.s32 $0x1EA00, s2;
	s10 =	sor.u32 s11, s10;
	s12 =	ssub.s32 s8, s9  }
0xf: {  	v0 =	vmul.u32 $0x80, v8;
	s0 =	sadd.s32 s0, s10;
	s25 =	sadd.s32 s4, s10;
	s26 =	sadd.s32 s6, s10  }
0x10: {  	s9 =	simm.s32 $0x3;
	s6 =	simm.s32 $0x10880;
	[dreg:$0x8] =	wrdreg s0  }
0x11: {  	v8 =	vmul.u32 $0x10, v8;
	v1 =	vor.u32 $0x800, v0;
	s4 =	simm.s32 $0x1;
	s10 =	simm.s32 $0x0;
	[dreg:$0x9] =	wrdreg s25  }
0x12: {  	v2 =	vor.u32 $0x1000, v0;
	v3 =	vor.u32 $0x1800, v0;
	v4 =	vor.u32 $0x2000, v0;
	[dreg:$0xa] =	wrdreg s26;
	s30 =	smax.u32 s12, $0x1;
	s25 =	simm.s32 $0x8500  }
0x13: {  	v5 =	vor.u32 $0x2800, v0;
	v6 =	vor.u32 $0x3000, v0;
	v7 =	vor.u32 $0x3800, v0;
	s26 =	simm.s32 $0xC500;
	s0 =	simm.s32 $0x10780;
	[dreg:$0xb] =	wrdreg s30  }
.LBB2_1:
0x14: {  	[dreg:$0xc] =	wrdreg s10  }
0x15: {  	s8 =	rddreg [dreg:$0x8]  }
0x16: {  	[tilespmem:s5], [sflag:$0x3] =	stream.linear.gather [hbm4b:s8+s5], $0x200, $0x38;
	[tilespmem:$0x12B80] =	vst v63  }
0x17: {  	_ =	swait.ge [sflag:s9], $0x200  }
0x18: {  	[sflag:s9] =	ssyncset.done $0x0  }
0x19: {  	s30 =	simm.s32 $0x280;
	s24 =	rddreg [dreg:$0x9];
	[sflag:s9] =	ssyncadd.s32 $0xFFFFFE00  }
0x1a: {  	[tilespmem:s30], [sflag:$0x3] =	stream.linear.gather [hbm4b:s24+s5], $0x200, $0x38;
	[tilespmem:$0x12B80] =	vst v63  }
0x1b: {  	_ =	swait.ge [sflag:s9], $0x200  }
0x1c: {  	[sflag:s9] =	ssyncset.done $0x0  }
0x1d: {  	[sflag:s9] =	ssyncadd.s32 $0xFFFFFE00  }
0x1e: {  	s11 =	simm.s32 $0x12B00;
	s10 =	rddreg [dreg:$0x5]  }
0x1f: {  	[tilespmem:s11], [sflag:$0x3] =	stream.linear.gather [hbm4b:s10+s5], $0x1, $0x38;
	[tilespmem:$0x12B80] =	vst v63  }
0x20: {  	_ =	swait.ge [sflag:s9], $0x1  }
0x21: {  	[sflag:s9] =	ssyncset.done $0x0  }
0x22: {  	[sflag:s9] =	ssyncadd.s32 $0xFFFFFFFF  }
0x23: {  	v9 =	vld [tilespmem:$0x12B00]  }
0x24: {  	v10 =	vld [tilespmem:$0x0]  }
0x25: {  	v11 =	vld [tilespmem:$0x280];
	_ =	sdelay $0x2  }
0x26: {  	(v2sf) =	vpush v9, $0x0  }
0x27: {  	(v2sf) =	vpush v10, $0x0  }
0x28: {  	(v2sf) =	vpush v11, $0x0;
	_ =	sdelay $0xc  }
0x29: {  	s21 =	spop (v2sf)  }
0x2a: {  	s23 =	spop (v2sf);
	(v2sf) =	vpush v10, $0x1  }
0x2b: {  	s12 =	spop (v2sf);
	(v2sf) =	vpush v11, $0x1;
	_ =	sdelay $0x4  }
0x2c: {  	s24 =	sand.u32 $0x1FFFFF80, s23  }
0x2d: {  	s23 =	sshrl.u32 s23, $0x3;
	s24 =	sadd.s32 s1, s24;
	s22 =	sand.u32 $0x1FFFFF80, s12  }
0x2e: {  	[tilespmem:s17], [sflag:$0x1] =	stream.strided.gather [hbm4b:s24+s15], $0x2000, s16, s15, $0x38;
	[tilespmem:$0x12B80] =	vst v63  }
0x2f: {  	s23 =	sand.u32 $0x1FFFFFF0, s23;
	s8 =	sshrl.u32 s12, $0x3;
	s24 =	sadd.s32 s3, s22  }
0x30: {  	[tilespmem:s18], [sflag:$0x1] =	stream.strided.gather [hbm4b:s24+s15], $0x2000, s16, s15, $0x38;
	[tilespmem:$0x12B80] =	vst v63  }
0x31: {  	s23 =	sadd.s32 s2, s23;
	s8 =	sand.u32 $0x1FFFFFF0, s8  }
0x32: {  	[tilespmem:s19], [sflag:$0x1] =	stream.linear.gather [hbm4b:s23+s5], $0x80, $0x38;
	[tilespmem:$0x12B80] =	vst v63  }
0x33: {  	s8 =	sadd.s32 s7, s8  }
0x34: {  	[tilespmem:s20], [sflag:$0x1] =	stream.linear.gather [hbm4b:s8+s5], $0x80, $0x38;
	[tilespmem:$0x12B80] =	vst v63  }
0x35: {  	s30 =	spop (v2sf)  }
0x36: {  	s11 =	simm.s32 $0x2500;
	s9 =	sand.u32 $0x1FFFFF80, s30;
	s10 =	spop (v2sf)  }
0x37: {  	s8 =	sshrl.u32 s30, $0x3;
	s23 =	sadd.s32 s1, s9;
	s12 =	sand.u32 $0x1FFFFF80, s10  }
0x38: {  	[tilespmem:s11], [sflag:$0x1] =	stream.strided.gather [hbm4b:s23+s15], $0x2000, s16, s15, $0x38;
	[tilespmem:$0x12B80] =	vst v63  }
0x39: {  	s22 =	simm.s32 $0x6500;
	s8 =	sand.u32 $0x1FFFFFF0, s8;
	s23 =	sadd.s32 s3, s12  }
0x3a: {  	[tilespmem:s22], [sflag:$0x1] =	stream.strided.gather [hbm4b:s23+s15], $0x2000, s16, s15, $0x38;
	[tilespmem:$0x12B80] =	vst v63  }
0x3b: {  	s24 =	sshrl.u32 s10, $0x3;
	s8 =	sadd.s32 s2, s8;
	s23 =	simm.s32 $0x10580  }
0x3c: {  	[tilespmem:s23], [sflag:$0x1] =	stream.linear.gather [hbm4b:s8+s5], $0x80, $0x38;
	[tilespmem:$0x12B80] =	vst v63  }
0x3d: {  	s8 =	sand.u32 $0x1FFFFFF0, s24  }
0x3e: {  	s30 =	simm.s32 $0x10680;
	s8 =	sadd.s32 s7, s8  }
0x3f: {  	[tilespmem:s30], [sflag:$0x1] =	stream.linear.gather [hbm4b:s8+s5], $0x80, $0x38;
	[tilespmem:$0x12B80] =	vst v63  }
0x40: {  	v9 =	vld [tilespmem:$0x2];
	_ =	sdelay $0x2  }
0x41: {  	v10 =	vld [tilespmem:$0x282];
	_ =	sdelay $0x1  }
0x42: {  	(v2sf) =	vpush v9, $0x0;
	_ =	sdelay $0x2  }
0x43: {  	(v2sf) =	vpush v10, $0x0;
	_ =	sdelay $0x6  }
0x44: {  	(v2sf) =	vpush v9, $0x1;
	_ =	sdelay $0x4  }
0x45: {  	s10 =	spop (v2sf);
	(v2sf) =	vpush v10, $0x1;
	_ =	sdelay $0x2  }
0x46: {  	s11 =	sand.u32 $0x1FFFFF80, s10;
	s12 =	spop (v2sf)  }
0x47: {  	s8 =	sshrl.u32 s10, $0x3;
	s23 =	sadd.s32 s1, s11;
	s22 =	sand.u32 $0x1FFFFF80, s12  }
0x48: {  	[tilespmem:s25], [sflag:$0x2] =	stream.strided.gather [hbm4b:s23+s15], $0x2000, s16, s15, $0x38;
	[tilespmem:$0x12B80] =	vst v63  }
0x49: {  	s8 =	sand.u32 $0x1FFFFFF0, s8;
	s23 =	sadd.s32 s3, s22  }
0x4a: {  	[tilespmem:s26], [sflag:$0x2] =	stream.strided.gather [hbm4b:s23+s15], $0x2000, s16, s15, $0x38;
	[tilespmem:$0x12B80] =	vst v63  }
0x4b: {  	s24 =	sshrl.u32 s12, $0x3;
	s8 =	sadd.s32 s2, s8  }
0x4c: {  	[tilespmem:s28], [sflag:$0x2] =	stream.linear.gather [hbm4b:s8+s5], $0x80, $0x38;
	[tilespmem:$0x12B80] =	vst v63  }
0x4d: {  	s30 =	spop (v2sf);
	s8 =	sand.u32 $0x1FFFFFF0, s24  }
0x4e: {  	s10 =	sand.u32 $0x1FFFFF80, s30;
	s8 =	sadd.s32 s7, s8  }
0x4f: {  	[tilespmem:s29], [sflag:$0x2] =	stream.linear.gather [hbm4b:s8+s5], $0x80, $0x38;
	[tilespmem:$0x12B80] =	vst v63  }
0x50: {  	s12 =	simm.s32 $0xA500;
	s8 =	sadd.s32 s1, s10  }
0x51: {  	[tilespmem:s12], [sflag:$0x2] =	stream.strided.gather [hbm4b:s8+s15], $0x2000, s16, s15, $0x38;
	[tilespmem:$0x12B80] =	vst v63  }
0x52: {  	s11 =	spop (v2sf)  }
0x53: {  	s22 =	sand.u32 $0x1FFFFF80, s11  }
0x54: {  	s23 =	sshrl.u32 s30, $0x3;
	s8 =	sadd.s32 s3, s22  }
0x55: {  	[tilespmem:s31], [sflag:$0x2] =	stream.strided.gather [hbm4b:s8+s15], $0x2000, s16, s15, $0x38;
	[tilespmem:$0x12B80] =	vst v63  }
0x56: {  	s8 =	sand.u32 $0x1FFFFFF0, s23  }
0x57: {  	s30 =	sshrl.u32 s11, $0x3;
	s8 =	sadd.s32 s2, s8  }
0x58: {  	[tilespmem:s0], [sflag:$0x2] =	stream.linear.gather [hbm4b:s8+s5], $0x80, $0x38;
	[tilespmem:$0x12B80] =	vst v63  }
0x59: {  	s21 =	smul.f32 $6.250000000e-02, s21;
	s8 =	sand.u32 $0x1FFFFFF0, s30  }
0x5a: {  	s24 =	simm.s32 $0x0;
	s23 =	simm.s32 $0x10920;
	s8 =	sadd.s32 s7, s8  }
0x5b: {  	v9 =	vmov s21;
	[tilespmem:s6], [sflag:$0x2] =	stream.linear.gather [hbm4b:s8+s5], $0x80, $0x38;
	[tilespmem:$0x12B80] =	vst v63  }
.LBB2_2:
0x5c: {  	s21 =	sshra.s32 s24, $0x2  }
0x5d: {  	v10 =	vld [tilespmem:s21+$0x0]  }
0x5e: {  	v11 =	vld [tilespmem:s21+$0x280];
	_ =	swait.ge [sflag:s4], $0x2000  }
0x5f: {  	[sflag:s4] =	ssyncset.done $0x0  }
0x60: {  	[sflag:s4] =	ssyncadd.s32 $0xFFFFE000  }
0x61: {  	_ =	swait.ge [sflag:s4], $0x2000  }
0x62: {  	[sflag:s4] =	ssyncset.done $0x0  }
0x63: {  	[sflag:s4] =	ssyncadd.s32 $0xFFFFE000  }
0x64: {  	_ =	swait.ge [sflag:s4], $0x80  }
0x65: {  	[sflag:s4] =	ssyncset.done $0x0  }
0x66: {  	[sflag:s4] =	ssyncadd.s32 $0xFFFFFF80  }
0x67: {  	_ =	swait.ge [sflag:s4], $0x80  }
0x68: {  	[sflag:s4] =	ssyncset.done $0x0  }
0x69: {  	[sflag:s4] =	ssyncadd.s32 $0xFFFFFF80  }
0x6a: {  	_ =	swait.ge [sflag:s4], $0x2000  }
0x6b: {  	[sflag:s4] =	ssyncset.done $0x0  }
0x6c: {  	[sflag:s4] =	ssyncadd.s32 $0xFFFFE000  }
0x6d: {  	_ =	swait.ge [sflag:s4], $0x2000  }
0x6e: {  	[sflag:s4] =	ssyncset.done $0x0  }
0x6f: {  	[sflag:s4] =	ssyncadd.s32 $0xFFFFE000  }
0x70: {  	_ =	swait.ge [sflag:s4], $0x80  }
0x71: {  	[sflag:s4] =	ssyncset.done $0x0  }
0x72: {  	[sflag:s4] =	ssyncadd.s32 $0xFFFFFF80  }
0x73: {  	_ =	swait.ge [sflag:s4], $0x80  }
0x74: {  	(v2sf) =	vpush v10, $0x0;
	_ =	sdelay $0x2  }
0x75: {  	(v2sf) =	vpush v11, $0x0;
	_ =	sdelay $0xb  }
0x76: {  	s8 =	spop (v2sf)  }
0x77: {  	s8 =	sand.u32 $0x7F, s8  }
0x78: {  	v12 =	vor.u32 s8, v0  }
0x79: {  	s9 =	spop (v2sf);
	v14 =	vor.u32 s8, v1  }
0x7a: {  	s9 =	sand.u32 $0x7F, s9;
	v16 =	vor.u32 s8, v2  }
0x7b: {  	[sflag:s4] =	ssyncset.done $0x0;
	v13 =	vor.u32 s9, v0  }
0x7c: {  	[sflag:s4] =	ssyncadd.s32 $0xFFFFFF80;
	v18 =	vor.u32 s8, v3  }
0x7d: {  	(v2sf) =	vpush v10, $0x1;
	v15 =	vor.u32 s9, v1;
	v12 =	vld.idx.msk [tilespmem:v12+s17+$0x0], $0xffff  }
0x7e: {  	(v2sf) =	vpush v11, $0x1;
	v11 =	vmov s8;
	v10 =	vld.idx.msk [tilespmem:v14+s17+$0x0], $0xffff  }
0x7f: {  	v17 =	vor.u32 s9, v2;
	v16 =	vld.idx.msk [tilespmem:v16+s17+$0x0], $0xffff  }
0x80: {  	v28 =	vor.u32 s9, v3;
	v13 =	vld.idx.msk [tilespmem:v13+s18+$0x0], $0xffff  }
0x81: {  	v19 =	vmov s9;
	v18 =	vld.idx.msk [tilespmem:v18+s17+$0x0], $0xffff  }
0x82: {  	v15 =	vld.idx.msk [tilespmem:v15+s18+$0x0], $0xffff  }
0x83: {  	v11 =	vld.idx.msk [tilespmem:v11+s19+$0x0], $0xffff  }
0x84: {  	v17 =	vld.idx.msk [tilespmem:v17+s18+$0x0], $0xffff  }
0x85: {  	v14 =	vld.idx.msk [tilespmem:v28+s18+$0x0], $0xffff;
	v12 =	vmul.f32 v13, v12  }
0x86: {  	v29 =	vld.idx.msk [tilespmem:v19+s20+$0x0], $0xffff  }
0x87: {  	v10 =	vmul.f32 v15, v10;
	v12 =	vadd.f32 $0.0e+00, v12;
	_ =	sdelay $0x1  }
0x88: {  	v30 =	vmul.f32 v17, v16;
	v10 =	vadd.f32 v10, v12;
	_ =	sdelay $0x1  }
0x89: {  	v31 =	vmul.f32 v14, v18;
	v11 =	vadd.f32 v29, v11;
	v10 =	vadd.f32 v30, v10;
	_ =	sdelay $0x1  }
0x8a: {  	v11 =	vmul.f32 $6.250000000e-02, v11;
	s9 =	spop (v2sf);
	v10 =	vadd.f32 v31, v10  }
0x8b: {  	s10 =	spop (v2sf);
	s8 =	sand.u32 $0x7F, s9  }
0x8c: {  	s9 =	sand.u32 $0x7F, s10;
	v10 =	vadd.f32 v11, v10;
	v11 =	vor.u32 s8, v4  }
0x8d: {  	v32 =	vor.u32 s9, v4  }
0x8e: {  	v33 =	vor.u32 s8, v5;
	v10 =	vadd.f32 v10, v9  }
0x8f: {  	v34 =	vor.u32 s9, v5  }
0x90: {  	v35 =	vor.u32 s9, v6;
	[tilespmem:s23+$0xFFFFFFE0] =	vst v10  }
0x91: {  	v36 =	vor.u32 s8, v7;
	v11 =	vld.idx.msk [tilespmem:v11+s17+$0x0], $0xffff  }
0x92: {  	v38 =	vor.u32 s9, v7;
	v12 =	vld.idx.msk [tilespmem:v32+s18+$0x0], $0xffff  }
0x93: {  	v37 =	vmov s8;
	v10 =	vor.u32 s8, v6;
	v13 =	vld.idx.msk [tilespmem:v33+s17+$0x0], $0xffff  }
0x94: {  	v39 =	vmov s9;
	v17 =	vor.u32 $0x80, v37;
	v14 =	vld.idx.msk [tilespmem:v34+s18+$0x0], $0xffff  }
0x95: {  	v19 =	vor.u32 $0x80, v39;
	v15 =	vld.idx.msk [tilespmem:v35+s18+$0x0], $0xffff  }
0x96: {  	v16 =	vld.idx.msk [tilespmem:v36+s17+$0x0], $0xffff  }
0x97: {  	v18 =	vld.idx.msk [tilespmem:v38+s18+$0x0], $0xffff  }
0x98: {  	v10 =	vld.idx.msk [tilespmem:v10+s17+$0x0], $0xffff  }
0x99: {  	v40 =	vld.idx.msk [tilespmem:v17+s19+$0x0], $0xffff;
	v11 =	vmul.f32 v12, v11  }
0x9a: {  	v41 =	vld.idx.msk [tilespmem:v19+s20+$0x0], $0xffff  }
0x9b: {  	v13 =	vmul.f32 v14, v13;
	v11 =	vadd.f32 $0.0e+00, v11;
	_ =	sdelay $0x1  }
0x9c: {  	v11 =	vadd.f32 v13, v11;
	v10 =	vmul.f32 v15, v10;
	_ =	sdelay $0x1  }
0x9d: {  	v12 =	vadd.f32 v41, v40;
	v10 =	vadd.f32 v10, v11;
	v11 =	vmul.f32 v18, v16;
	_ =	sdelay $0x1  }
0x9e: {  	v10 =	vadd.f32 v11, v10;
	v11 =	vmul.f32 $6.250000000e-02, v12;
	_ =	sdelay $0x1  }
0x9f: {  	v10 =	vadd.f32 v11, v10;
	_ =	sdelay $0x1  }
0xa0: {  	v10 =	vadd.f32 v10, v9  }
0xa1: {  	p0 =	seq.s32 s24, $0x7F0  }
0xa2: {  	s8 =	sshra.s32 @!p0 s24, $0x2;
	[tilespmem:s23+$0xFFFFFFF0] =	vst v10  }
0xa3: {  	v10 =	vld @!p0 [tilespmem:s8+$0x4];
	_ =	sdelay $0x1  }
0xa4: {  	v11 =	vld @!p0 [tilespmem:s8+$0x284];
	_ =	sdelay $0x2  }
0xa5: {  	(v2sf) =	vpush @!p0 v10, $0x0;
	_ =	sdelay $0x1  }
0xa6: {  	(v2sf) =	vpush @!p0 v11, $0x0;
	_ =	sdelay $0xc  }
0xa7: {  	s8 =	spop @!p0 (v2sf);
	(v2sf) =	vpush @!p0 v10, $0x1;
	_ =	sdelay $0x1  }
0xa8: {  	s10 =	spop @!p0 (v2sf);
	(v2sf) =	vpush @!p0 v11, $0x1  }
0xa9: {  	s11 =	simm.s32 @!p0 $0x400;
	s9 =	sand.u32 @!p0 $0x1FFFFF80, s8  }
0xaa: {  	s12 =	simm.s32 @!p0 $0x7A1400;
	s22 =	simm.s32 @!p0 $0x500;
	s9 =	sadd.s32 @!p0 s1, s9  }
0xab: {  	[tilespmem:s22], [sflag:$0x1] =	stream.strided.gather @!p0 [hbm4b:s9+s11], $0x2000, s12, s11, $0x38;
	[tilespmem:$0x12B80] =	vst v63  }
0xac: {  	s8 =	sshrl.u32 @!p0 s8, $0x3;
	s9 =	sand.u32 @!p0 $0x1FFFFF80, s10  }
0xad: {  	s8 =	sand.u32 @!p0 $0x1FFFFFF0, s8;
	s22 =	simm.s32 @!p0 $0x4500;
	s9 =	sadd.s32 @!p0 s3, s9  }
0xae: {  	[tilespmem:s22], [sflag:$0x1] =	stream.strided.gather @!p0 [hbm4b:s9+s11], $0x2000, s12, s11, $0x38;
	[tilespmem:$0x12B80] =	vst v63  }
0xaf: {  	s8 =	sadd.s32 @!p0 s2, s8;
	s9 =	simm.s32 @!p0 $0x0;
	s22 =	simm.s32 @!p0 $0x10500  }
0xb0: {  	[tilespmem:s22], [sflag:$0x1] =	stream.linear.gather @!p0 [hbm4b:s8+s9], $0x80, $0x38;
	[tilespmem:$0x12B80] =	vst v63  }
0xb1: {  	s8 =	sshrl.u32 @!p0 s10, $0x3  }
0xb2: {  	s8 =	sand.u32 @!p0 $0x1FFFFFF0, s8  }
0xb3: {  	s10 =	simm.s32 @!p0 $0x10600;
	s8 =	sadd.s32 @!p0 s7, s8  }
0xb4: {  	[tilespmem:s10], [sflag:$0x1] =	stream.linear.gather @!p0 [hbm4b:s8+s9], $0x80, $0x38;
	[tilespmem:$0x12B80] =	vst v63  }
0xb5: {  	s8 =	spop @!p0 (v2sf)  }
0xb6: {  	s10 =	sand.u32 @!p0 $0x1FFFFF80, s8  }
0xb7: {  	s30 =	simm.s32 @!p0 $0x2500;
	s22 =	spop @!p0 (v2sf);
	s10 =	sadd.s32 @!p0 s1, s10  }
0xb8: {  	[tilespmem:s30], [sflag:$0x1] =	stream.strided.gather @!p0 [hbm4b:s10+s11], $0x2000, s12, s11, $0x38;
	[tilespmem:$0x12B80] =	vst v63  }
0xb9: {  	s8 =	sshrl.u32 @!p0 s8, $0x3;
	s10 =	sand.u32 @!p0 $0x1FFFFF80, s22  }
0xba: {  	s8 =	sand.u32 @!p0 $0x1FFFFFF0, s8;
	s30 =	simm.s32 @!p0 $0x6500;
	s10 =	sadd.s32 @!p0 s3, s10  }
0xbb: {  	[tilespmem:s30], [sflag:$0x1] =	stream.strided.gather @!p0 [hbm4b:s10+s11], $0x2000, s12, s11, $0x38;
	[tilespmem:$0x12B80] =	vst v63  }
0xbc: {  	s8 =	sadd.s32 @!p0 s2, s8;
	s10 =	simm.s32 @!p0 $0x10580  }
0xbd: {  	[tilespmem:s10], [sflag:$0x1] =	stream.linear.gather @!p0 [hbm4b:s8+s9], $0x80, $0x38;
	[tilespmem:$0x12B80] =	vst v63  }
0xbe: {  	s8 =	sshrl.u32 @!p0 s22, $0x3  }
0xbf: {  	s8 =	sand.u32 @!p0 $0x1FFFFFF0, s8  }
0xc0: {  	s10 =	simm.s32 @!p0 $0x10680;
	s8 =	sadd.s32 @!p0 s7, s8  }
0xc1: {  	[tilespmem:s10], [sflag:$0x1] =	stream.linear.gather @!p0 [hbm4b:s8+s9], $0x80, $0x38;
	[tilespmem:$0x12B80] =	vst v63  }
0xc2: {  	v10 =	vld [tilespmem:s21+$0x2]  }
0xc3: {  	v11 =	vld [tilespmem:s21+$0x282];
	_ =	swait.ge [sflag:s13], $0x2000  }
0xc4: {  	[sflag:s13] =	ssyncset.done $0x0  }
0xc5: {  	[sflag:s13] =	ssyncadd.s32 $0xFFFFE000  }
0xc6: {  	_ =	swait.ge [sflag:s13], $0x2000  }
0xc7: {  	[sflag:s13] =	ssyncset.done $0x0  }
0xc8: {  	[sflag:s13] =	ssyncadd.s32 $0xFFFFE000  }
0xc9: {  	_ =	swait.ge [sflag:s13], $0x80  }
0xca: {  	[sflag:s13] =	ssyncset.done $0x0  }
0xcb: {  	[sflag:s13] =	ssyncadd.s32 $0xFFFFFF80  }
0xcc: {  	_ =	swait.ge [sflag:s13], $0x80  }
0xcd: {  	[sflag:s13] =	ssyncset.done $0x0  }
0xce: {  	[sflag:s13] =	ssyncadd.s32 $0xFFFFFF80  }
0xcf: {  	_ =	swait.ge [sflag:s13], $0x2000  }
0xd0: {  	[sflag:s13] =	ssyncset.done $0x0  }
0xd1: {  	[sflag:s13] =	ssyncadd.s32 $0xFFFFE000  }
0xd2: {  	_ =	swait.ge [sflag:s13], $0x2000  }
0xd3: {  	[sflag:s13] =	ssyncset.done $0x0  }
0xd4: {  	[sflag:s13] =	ssyncadd.s32 $0xFFFFE000  }
0xd5: {  	_ =	swait.ge [sflag:s13], $0x80  }
0xd6: {  	[sflag:s13] =	ssyncset.done $0x0  }
0xd7: {  	[sflag:s13] =	ssyncadd.s32 $0xFFFFFF80  }
0xd8: {  	_ =	swait.ge [sflag:s13], $0x80  }
0xd9: {  	(v2sf) =	vpush v10, $0x0;
	_ =	sdelay $0x2  }
0xda: {  	(v2sf) =	vpush v11, $0x0;
	_ =	sdelay $0xb  }
0xdb: {  	s11 =	spop (v2sf)  }
0xdc: {  	s8 =	sand.u32 $0x7F, s11  }
0xdd: {  	v42 =	vor.u32 s8, v0  }
0xde: {  	s12 =	spop (v2sf);
	v44 =	vor.u32 s8, v1  }
0xdf: {  	s9 =	sand.u32 $0x7F, s12;
	v46 =	vor.u32 s8, v2  }
0xe0: {  	[sflag:s13] =	ssyncset.done $0x0;
	v43 =	vor.u32 s9, v0  }
0xe1: {  	[sflag:s13] =	ssyncadd.s32 $0xFFFFFF80;
	v48 =	vor.u32 s8, v3  }
0xe2: {  	(v2sf) =	vpush v10, $0x1;
	v45 =	vor.u32 s9, v1;
	v12 =	vld.idx.msk [tilespmem:v42+s25+$0x0], $0xffff  }
0xe3: {  	(v2sf) =	vpush v11, $0x1;
	v11 =	vmov s8;
	v10 =	vld.idx.msk [tilespmem:v44+s25+$0x0], $0xffff  }
0xe4: {  	v47 =	vor.u32 s9, v2;
	v16 =	vld.idx.msk [tilespmem:v46+s25+$0x0], $0xffff  }
0xe5: {  	v49 =	vor.u32 s9, v3;
	v13 =	vld.idx.msk [tilespmem:v43+s26+$0x0], $0xffff  }
0xe6: {  	v50 =	vmov s9;
	v18 =	vld.idx.msk [tilespmem:v48+s25+$0x0], $0xffff  }
0xe7: {  	v15 =	vld.idx.msk [tilespmem:v45+s26+$0x0], $0xffff  }
0xe8: {  	v11 =	vld.idx.msk [tilespmem:v11+s28+$0x0], $0xffff  }
0xe9: {  	v17 =	vld.idx.msk [tilespmem:v47+s26+$0x0], $0xffff  }
0xea: {  	v14 =	vld.idx.msk [tilespmem:v49+s26+$0x0], $0xffff;
	v12 =	vmul.f32 v13, v12  }
0xeb: {  	v51 =	vld.idx.msk [tilespmem:v50+s29+$0x0], $0xffff  }
0xec: {  	v10 =	vmul.f32 v15, v10;
	v12 =	vadd.f32 $0.0e+00, v12;
	_ =	sdelay $0x1  }
0xed: {  	v52 =	vmul.f32 v17, v16;
	v10 =	vadd.f32 v10, v12;
	_ =	sdelay $0x1  }
0xee: {  	v53 =	vmul.f32 v14, v18;
	v11 =	vadd.f32 v51, v11;
	v10 =	vadd.f32 v52, v10;
	_ =	sdelay $0x1  }
0xef: {  	s22 =	spop (v2sf);
	v11 =	vmul.f32 $6.250000000e-02, v11;
	v10 =	vadd.f32 v53, v10  }
0xf0: {  	s30 =	spop (v2sf);
	s8 =	sand.u32 $0x7F, s22  }
0xf1: {  	s9 =	sand.u32 $0x7F, s30;
	v10 =	vadd.f32 v11, v10;
	v11 =	vor.u32 s8, v4  }
0xf2: {  	v54 =	vor.u32 s9, v4  }
0xf3: {  	v55 =	vor.u32 s8, v5;
	v10 =	vadd.f32 v10, v9  }
0xf4: {  	v56 =	vor.u32 s9, v5  }
0xf5: {  	v57 =	vor.u32 s9, v6;
	[tilespmem:s23+$0x0] =	vst v10  }
0xf6: {  	v58 =	vor.u32 s8, v7;
	v11 =	vld.idx.msk [tilespmem:v11+s25+$0x0], $0xffff  }
0xf7: {  	v60 =	vor.u32 s9, v7;
	v12 =	vld.idx.msk [tilespmem:v54+s26+$0x0], $0xffff  }
0xf8: {  	v59 =	vmov s8;
	v10 =	vor.u32 s8, v6;
	v13 =	vld.idx.msk [tilespmem:v55+s25+$0x0], $0xffff  }
0xf9: {  	v61 =	vmov s9;
	v17 =	vor.u32 $0x80, v59;
	v14 =	vld.idx.msk [tilespmem:v56+s26+$0x0], $0xffff  }
0xfa: {  	v19 =	vor.u32 $0x80, v61;
	v15 =	vld.idx.msk [tilespmem:v57+s26+$0x0], $0xffff  }
0xfb: {  	v16 =	vld.idx.msk [tilespmem:v58+s25+$0x0], $0xffff  }
0xfc: {  	v18 =	vld.idx.msk [tilespmem:v60+s26+$0x0], $0xffff  }
0xfd: {  	v10 =	vld.idx.msk [tilespmem:v10+s25+$0x0], $0xffff  }
0xfe: {  	v62 =	vld.idx.msk [tilespmem:v17+s28+$0x0], $0xffff;
	v11 =	vmul.f32 v12, v11  }
0xff: {  	v63 =	vld.idx.msk [tilespmem:v19+s29+$0x0], $0xffff  }
0x100: {  	v13 =	vmul.f32 v14, v13;
	v11 =	vadd.f32 $0.0e+00, v11;
	_ =	sdelay $0x1  }
0x101: {  	v11 =	vadd.f32 v13, v11;
	v10 =	vmul.f32 v15, v10;
	_ =	sdelay $0x1  }
0x102: {  	v12 =	vadd.f32 v63, v62;
	v10 =	vadd.f32 v10, v11;
	v11 =	vmul.f32 v18, v16;
	_ =	sdelay $0x1  }
0x103: {  	v10 =	vadd.f32 v11, v10;
	v11 =	vmul.f32 $6.250000000e-02, v12;
	_ =	sdelay $0x1  }
.Ltmp0:
0x104: {  	v10 =	vadd.f32 v11, v10;
	(pc) =	sbr.rel @p0 .LBB2_3-.Ltmp0, $3  }
0x105: {  	_ = 	snop  }
0x106: {  	v10 =	vadd.f32 v10, v9;
	_ =	sdelay $0x1  }
0x107: {  	[tilespmem:s23+$0x10] =	vst v10  }
0x108: {  	v10 =	vld [tilespmem:s21+$0x6];
	_ =	sdelay $0x2  }
0x109: {  	v11 =	vld [tilespmem:s21+$0x286];
	_ =	sdelay $0x1  }
0x10a: {  	(v2sf) =	vpush v10, $0x0;
	_ =	sdelay $0x2  }
0x10b: {  	(v2sf) =	vpush v11, $0x0;
	_ =	sdelay $0x6  }
0x10c: {  	(v2sf) =	vpush v10, $0x1;
	_ =	sdelay $0x4  }
0x10d: {  	s8 =	spop (v2sf);
	(v2sf) =	vpush v11, $0x1;
	_ =	sdelay $0x2  }
0x10e: {  	s9 =	sand.u32 $0x1FFFFF80, s8;
	s10 =	spop (v2sf)  }
0x10f: {  	s8 =	sshrl.u32 s8, $0x3;
	s9 =	sadd.s32 s1, s9;
	s30 =	sand.u32 $0x1FFFFF80, s10  }
0x110: {  	[tilespmem:s25], [sflag:$0x2] =	stream.strided.gather [hbm4b:s9+s15], $0x2000, s16, s15, $0x38;
	[tilespmem:$0x12B80] =	vst v63  }
0x111: {  	s8 =	sand.u32 $0x1FFFFFF0, s8;
	s9 =	sadd.s32 s3, s30  }
0x112: {  	[tilespmem:s26], [sflag:$0x2] =	stream.strided.gather [hbm4b:s9+s15], $0x2000, s16, s15, $0x38;
	[tilespmem:$0x12B80] =	vst v63  }
0x113: {  	s8 =	sadd.s32 s2, s8;
	s9 =	sshrl.u32 s10, $0x3  }
0x114: {  	[tilespmem:s28], [sflag:$0x2] =	stream.linear.gather [hbm4b:s8+s5], $0x80, $0x38;
	[tilespmem:$0x12B80] =	vst v63  }
0x115: {  	s10 =	spop (v2sf);
	s8 =	sand.u32 $0x1FFFFFF0, s9  }
0x116: {  	s11 =	sand.u32 $0x1FFFFF80, s10;
	s8 =	sadd.s32 s7, s8  }
0x117: {  	[tilespmem:s29], [sflag:$0x2] =	stream.linear.gather [hbm4b:s8+s5], $0x80, $0x38;
	[tilespmem:$0x12B80] =	vst v63  }
0x118: {  	s8 =	sadd.s32 s1, s11;
	s11 =	simm.s32 $0xA500  }
0x119: {  	[tilespmem:s11], [sflag:$0x2] =	stream.strided.gather [hbm4b:s8+s15], $0x2000, s16, s15, $0x38;
	[tilespmem:$0x12B80] =	vst v63  }
0x11a: {  	s12 =	spop (v2sf)  }
0x11b: {  	s21 =	sand.u32 $0x1FFFFF80, s12  }
0x11c: {  	s22 =	sshrl.u32 s10, $0x3;
	s8 =	sadd.s32 s3, s21  }
0x11d: {  	[tilespmem:s31], [sflag:$0x2] =	stream.strided.gather [hbm4b:s8+s15], $0x2000, s16, s15, $0x38;
	[tilespmem:$0x12B80] =	vst v63  }
0x11e: {  	s8 =	sand.u32 $0x1FFFFFF0, s22  }
.Ltmp1:
0x11f: {  	s30 =	sshrl.u32 s12, $0x3;
	s8 =	sadd.s32 s2, s8;
	(pc) =	sbr.rel .LBB2_2-.Ltmp1, $4  }
0x120: {  	[tilespmem:s0], [sflag:$0x2] =	stream.linear.gather [hbm4b:s8+s5], $0x80, $0x38;
	[tilespmem:$0x12B80] =	vst v63  }
0x121: {  	s8 =	sand.u32 $0x1FFFFFF0, s30  }
0x122: {  	s24 =	sadd.s32 $0x10, s24;
	s23 =	sadd.s32 $0x40, s23;
	s8 =	sadd.s32 s7, s8  }
0x123: {  	[tilespmem:s6], [sflag:$0x2] =	stream.linear.gather [hbm4b:s8+s5], $0x80, $0x38;
	[tilespmem:$0x12B80] =	vst v63  }
.LBB2_3:
0x124: {  	s23 =	simm.s32 $0x0  }
0x125: {  	v9 =	vmov s23  }
0x126: {  	v9 =	vshll.u32 v9, $0x4  }
0x127: {  	v9 =	vor.u32 v8, v9;
	_ =	sdelay $0x1  }
0x128: {  	v10 =	vor.u32 $0x1, v9;
	_ =	sdelay $0x1  }
0x129: {  	v11 =	vor.u32 $0x2, v9  }
0x12a: {  	v12 =	vld.idx.msk [tilespmem:v9+s14+$0x0], $0xffff  }
0x12b: {  	v13 =	vor.u32 $0x3, v9  }
0x12c: {  	v10 =	vld.idx.msk [tilespmem:v10+s14+$0x0], $0xffff  }
0x12d: {  	v14 =	vor.u32 $0x4, v9  }
0x12e: {  	v11 =	vld.idx.msk [tilespmem:v11+s14+$0x0], $0xffff  }
0x12f: {  	v15 =	vor.u32 $0x5, v9;
	v12 =	vadd.f32 $0.0e+00, v12  }
0x130: {  	v13 =	vld.idx.msk [tilespmem:v13+s14+$0x0], $0xffff  }
0x131: {  	v16 =	vor.u32 $0x6, v9;
	v10 =	vadd.f32 v10, v12  }
0x132: {  	v12 =	vld.idx.msk [tilespmem:v14+s14+$0x0], $0xffff  }
0x133: {  	v14 =	vor.u32 $0x7, v9;
	v10 =	vadd.f32 v11, v10  }
0x134: {  	v11 =	vld.idx.msk [tilespmem:v15+s14+$0x0], $0xffff  }
0x135: {  	v15 =	vor.u32 $0x8, v9;
	v10 =	vadd.f32 v13, v10  }
0x136: {  	v13 =	vld.idx.msk [tilespmem:v16+s14+$0x0], $0xffff  }
0x137: {  	v59 =	vor.u32 $0x9, v9;
	v10 =	vadd.f32 v12, v10  }
0x138: {  	v12 =	vld.idx.msk [tilespmem:v14+s14+$0x0], $0xffff  }
0x139: {  	v14 =	vor.u32 $0xA, v9;
	v10 =	vadd.f32 v11, v10  }
0x13a: {  	v11 =	vld.idx.msk [tilespmem:v15+s14+$0x0], $0xffff  }
0x13b: {  	v15 =	vor.u32 $0xB, v9;
	v10 =	vadd.f32 v13, v10  }
0x13c: {  	v13 =	vld.idx.msk [tilespmem:v59+s14+$0x0], $0xffff  }
0x13d: {  	v60 =	vor.u32 $0xC, v9;
	v10 =	vadd.f32 v12, v10  }
0x13e: {  	v12 =	vld.idx.msk [tilespmem:v14+s14+$0x0], $0xffff  }
0x13f: {  	v14 =	vor.u32 $0xD, v9;
	v10 =	vadd.f32 v11, v10  }
0x140: {  	v11 =	vld.idx.msk [tilespmem:v15+s14+$0x0], $0xffff  }
0x141: {  	v15 =	vor.u32 $0xE, v9;
	v10 =	vadd.f32 v13, v10  }
0x142: {  	v13 =	vld.idx.msk [tilespmem:v60+s14+$0x0], $0xffff  }
0x143: {  	v9 =	vor.u32 $0xF, v9;
	v10 =	vadd.f32 v12, v10  }
0x144: {  	v12 =	vld.idx.msk [tilespmem:v14+s14+$0x0], $0xffff  }
0x145: {  	v10 =	vadd.f32 v11, v10  }
0x146: {  	v11 =	vld.idx.msk [tilespmem:v15+s14+$0x0], $0xffff  }
0x147: {  	v10 =	vadd.f32 v13, v10  }
0x148: {  	s8 =	simm.s32 $0x10;
	v9 =	vld.idx.msk [tilespmem:v9+s14+$0x0], $0xffff  }
0x149: {  	v13 =	vmov s8;
	v10 =	vadd.f32 v12, v10  }
0x14a: {  	v12 =	vshll.u32 v13, $0x4  }
0x14b: {  	v12 =	vor.u32 v8, v12;
	v10 =	vadd.f32 v11, v10;
	_ =	sdelay $0x1  }
0x14c: {  	v11 =	vor.u32 $0x1, v12;
	v9 =	vadd.f32 v9, v10  }
0x14d: {  	s21 =	simm.s32 $0x12900  }
0x14e: {  	v10 =	vor.u32 $0x2, v12;
	[tilespmem:s21+$0x0] =	vst v9  }
0x14f: {  	v9 =	vld.idx.msk [tilespmem:v12+s14+$0x0], $0xffff  }
0x150: {  	v13 =	vor.u32 $0x3, v12  }
0x151: {  	v11 =	vld.idx.msk [tilespmem:v11+s14+$0x0], $0xffff  }
0x152: {  	v14 =	vor.u32 $0x4, v12  }
0x153: {  	v10 =	vld.idx.msk [tilespmem:v10+s14+$0x0], $0xffff  }
0x154: {  	v15 =	vor.u32 $0x5, v12;
	v9 =	vadd.f32 $0.0e+00, v9  }
0x155: {  	v13 =	vld.idx.msk [tilespmem:v13+s14+$0x0], $0xffff  }
0x156: {  	v61 =	vor.u32 $0x6, v12;
	v9 =	vadd.f32 v11, v9  }
0x157: {  	v11 =	vld.idx.msk [tilespmem:v14+s14+$0x0], $0xffff  }
0x158: {  	v14 =	vor.u32 $0x7, v12;
	v9 =	vadd.f32 v10, v9  }
0x159: {  	v10 =	vld.idx.msk [tilespmem:v15+s14+$0x0], $0xffff  }
0x15a: {  	v15 =	vor.u32 $0x8, v12;
	v9 =	vadd.f32 v13, v9  }
0x15b: {  	v13 =	vld.idx.msk [tilespmem:v61+s14+$0x0], $0xffff  }
0x15c: {  	v62 =	vor.u32 $0x9, v12;
	v9 =	vadd.f32 v11, v9  }
0x15d: {  	v11 =	vld.idx.msk [tilespmem:v14+s14+$0x0], $0xffff  }
0x15e: {  	v14 =	vor.u32 $0xA, v12;
	v9 =	vadd.f32 v10, v9  }
0x15f: {  	v10 =	vld.idx.msk [tilespmem:v15+s14+$0x0], $0xffff  }
0x160: {  	v15 =	vor.u32 $0xB, v12;
	v9 =	vadd.f32 v13, v9  }
0x161: {  	v13 =	vld.idx.msk [tilespmem:v62+s14+$0x0], $0xffff  }
0x162: {  	v63 =	vor.u32 $0xC, v12;
	v9 =	vadd.f32 v11, v9  }
0x163: {  	v11 =	vld.idx.msk [tilespmem:v14+s14+$0x0], $0xffff  }
0x164: {  	v14 =	vor.u32 $0xD, v12;
	v9 =	vadd.f32 v10, v9  }
0x165: {  	v10 =	vld.idx.msk [tilespmem:v15+s14+$0x0], $0xffff  }
0x166: {  	v15 =	vor.u32 $0xE, v12;
	v9 =	vadd.f32 v13, v9  }
0x167: {  	v13 =	vld.idx.msk [tilespmem:v63+s14+$0x0], $0xffff  }
0x168: {  	v9 =	vadd.f32 v11, v9;
	v11 =	vor.u32 $0xF, v12  }
0x169: {  	v14 =	vld.idx.msk [tilespmem:v14+s14+$0x0], $0xffff  }
0x16a: {  	v9 =	vadd.f32 v10, v9  }
0x16b: {  	v10 =	vld.idx.msk [tilespmem:v15+s14+$0x0], $0xffff  }
0x16c: {  	v13 =	vadd.f32 v13, v9  }
0x16d: {  	s30 =	simm.s32 $0x20;
	v9 =	vld.idx.msk [tilespmem:v11+s14+$0x0], $0xffff  }
0x16e: {  	s9 =	simm.s32 $0x3;
	s23 =	simm.s32 $0x30;
	v12 =	vmov s30;
	v11 =	vadd.f32 v14, v13  }
.LBB2_4:
0x16f: {  	p0 =	sne.s32 s23, $0x1F0;
	v12 =	vshll.u32 v12, $0x4  }
0x170: {  	v12 =	vor.u32 v8, v12;
	v10 =	vadd.f32 v10, v11;
	_ =	sdelay $0x1  }
0x171: {  	v11 =	vor.u32 $0x1, v12;
	v9 =	vadd.f32 v9, v10  }
0x172: {  	s21 =	sadd.s32 $0x10, s21  }
0x173: {  	v10 =	vor.u32 $0x2, v12;
	[tilespmem:s21+$0x0] =	vst v9  }
0x174: {  	v9 =	vld.idx.msk [tilespmem:v12+s14+$0x0], $0xffff  }
0x175: {  	v13 =	vor.u32 $0x3, v12  }
0x176: {  	v11 =	vld.idx.msk [tilespmem:v11+s14+$0x0], $0xffff  }
0x177: {  	v14 =	vor.u32 $0x4, v12  }
0x178: {  	v10 =	vld.idx.msk [tilespmem:v10+s14+$0x0], $0xffff  }
0x179: {  	v15 =	vor.u32 $0x5, v12  }
0x17a: {  	v9 =	vadd.f32 $0.0e+00, v9;
	v13 =	vld.idx.msk [tilespmem:v13+s14+$0x0], $0xffff  }
0x17b: {  	v16 =	vor.u32 $0x6, v12  }
0x17c: {  	v9 =	vadd.f32 v11, v9;
	v11 =	vld.idx.msk [tilespmem:v14+s14+$0x0], $0xffff  }
0x17d: {  	v14 =	vor.u32 $0x7, v12  }
0x17e: {  	v9 =	vadd.f32 v10, v9;
	v10 =	vld.idx.msk [tilespmem:v15+s14+$0x0], $0xffff  }
0x17f: {  	v15 =	vor.u32 $0x8, v12  }
0x180: {  	v9 =	vadd.f32 v13, v9;
	v13 =	vld.idx.msk [tilespmem:v16+s14+$0x0], $0xffff  }
0x181: {  	v16 =	vor.u32 $0x9, v12  }
0x182: {  	v9 =	vadd.f32 v11, v9;
	v11 =	vld.idx.msk [tilespmem:v14+s14+$0x0], $0xffff  }
0x183: {  	v14 =	vor.u32 $0xA, v12  }
0x184: {  	v9 =	vadd.f32 v10, v9;
	v10 =	vld.idx.msk [tilespmem:v15+s14+$0x0], $0xffff  }
0x185: {  	v15 =	vor.u32 $0xB, v12  }
0x186: {  	v9 =	vadd.f32 v13, v9;
	v13 =	vld.idx.msk [tilespmem:v16+s14+$0x0], $0xffff  }
0x187: {  	v16 =	vor.u32 $0xC, v12  }
0x188: {  	v9 =	vadd.f32 v11, v9;
	v11 =	vld.idx.msk [tilespmem:v14+s14+$0x0], $0xffff  }
0x189: {  	v14 =	vor.u32 $0xD, v12  }
0x18a: {  	v9 =	vadd.f32 v10, v9;
	v10 =	vld.idx.msk [tilespmem:v15+s14+$0x0], $0xffff  }
0x18b: {  	v15 =	vor.u32 $0xE, v12  }
0x18c: {  	v9 =	vadd.f32 v13, v9;
	v13 =	vld.idx.msk [tilespmem:v16+s14+$0x0], $0xffff  }
0x18d: {  	v12 =	vor.u32 $0xF, v12  }
0x18e: {  	v9 =	vadd.f32 v11, v9;
	v11 =	vld.idx.msk [tilespmem:v14+s14+$0x0], $0xffff;
	_ =	sdelay $0x1  }
.Ltmp2:
0x18f: {  	v9 =	vadd.f32 v10, v9;
	v10 =	vld.idx.msk [tilespmem:v15+s14+$0x0], $0xffff;
	(pc) =	sbr.rel @p0 .LBB2_4-.Ltmp2, $3  }
0x190: {  	_ = 	snop  }
0x191: {  	v13 =	vadd.f32 v13, v9;
	v9 =	vld.idx.msk [tilespmem:v12+s14+$0x0], $0xffff;
	_ =	sdelay $0x1  }
0x192: {  	v12 =	vmov s23;
	s23 =	sadd.s32 $0x10, s23;
	v11 =	vadd.f32 v11, v13  }
0x193: {  	v12 =	vshll.u32 v12, $0x4  }
0x194: {  	v12 =	vor.u32 v8, v12;
	v10 =	vadd.f32 v10, v11;
	_ =	sdelay $0x1  }
0x195: {  	v11 =	vor.u32 $0x1, v12;
	v9 =	vadd.f32 v9, v10  }
0x196: {  	s8 =	sadd.s32 $0x10, s21  }
0x197: {  	v10 =	vor.u32 $0x2, v12;
	[tilespmem:s8+$0x0] =	vst v9  }
0x198: {  	v9 =	vld.idx.msk [tilespmem:v12+s14+$0x0], $0xffff  }
0x199: {  	v13 =	vor.u32 $0x3, v12  }
0x19a: {  	v11 =	vld.idx.msk [tilespmem:v11+s14+$0x0], $0xffff  }
0x19b: {  	v14 =	vor.u32 $0x4, v12  }
0x19c: {  	v10 =	vld.idx.msk [tilespmem:v10+s14+$0x0], $0xffff  }
0x19d: {  	v15 =	vor.u32 $0x5, v12;
	v9 =	vadd.f32 $0.0e+00, v9  }
0x19e: {  	v13 =	vld.idx.msk [tilespmem:v13+s14+$0x0], $0xffff  }
0x19f: {  	v16 =	vor.u32 $0x6, v12;
	v9 =	vadd.f32 v11, v9  }
0x1a0: {  	v11 =	vld.idx.msk [tilespmem:v14+s14+$0x0], $0xffff  }
0x1a1: {  	v53 =	vor.u32 $0x7, v12;
	v9 =	vadd.f32 v10, v9  }
0x1a2: {  	v10 =	vld.idx.msk [tilespmem:v15+s14+$0x0], $0xffff  }
0x1a3: {  	v54 =	vor.u32 $0x8, v12;
	v9 =	vadd.f32 v13, v9  }
0x1a4: {  	v55 =	vld.idx.msk [tilespmem:v16+s14+$0x0], $0xffff  }
0x1a5: {  	v56 =	vor.u32 $0x9, v12;
	v9 =	vadd.f32 v11, v9  }
0x1a6: {  	v11 =	vld.idx.msk [tilespmem:v53+s14+$0x0], $0xffff  }
0x1a7: {  	v57 =	vor.u32 $0xA, v12;
	v9 =	vadd.f32 v10, v9  }
0x1a8: {  	v10 =	vld.idx.msk [tilespmem:v54+s14+$0x0], $0xffff  }
0x1a9: {  	v58 =	vor.u32 $0xB, v12;
	v9 =	vadd.f32 v55, v9  }
0x1aa: {  	v59 =	vld.idx.msk [tilespmem:v56+s14+$0x0], $0xffff  }
0x1ab: {  	v60 =	vor.u32 $0xC, v12;
	v9 =	vadd.f32 v11, v9  }
0x1ac: {  	v11 =	vld.idx.msk [tilespmem:v57+s14+$0x0], $0xffff  }
0x1ad: {  	v61 =	vor.u32 $0xD, v12;
	v9 =	vadd.f32 v10, v9  }
0x1ae: {  	v10 =	vld.idx.msk [tilespmem:v58+s14+$0x0], $0xffff  }
0x1af: {  	v62 =	vor.u32 $0xE, v12;
	v9 =	vadd.f32 v59, v9  }
0x1b0: {  	v63 =	vld.idx.msk [tilespmem:v60+s14+$0x0], $0xffff  }
0x1b1: {  	v12 =	vor.u32 $0xF, v12;
	v9 =	vadd.f32 v11, v9  }
0x1b2: {  	v11 =	vld.idx.msk [tilespmem:v61+s14+$0x0], $0xffff  }
0x1b3: {  	v9 =	vadd.f32 v10, v9  }
0x1b4: {  	v10 =	vld.idx.msk [tilespmem:v62+s14+$0x0], $0xffff  }
0x1b5: {  	v9 =	vadd.f32 v63, v9  }
0x1b6: {  	v12 =	vld.idx.msk [tilespmem:v12+s14+$0x0], $0xffff  }
0x1b7: {  	v9 =	vadd.f32 v11, v9;
	_ =	sdelay $0x1  }
0x1b8: {  	v9 =	vadd.f32 v10, v9;
	_ =	sdelay $0x1  }
0x1b9: {  	v9 =	vadd.f32 v12, v9  }
0x1ba: {  	s8 =	sadd.s32 $0x10, s8  }
0x1bb: {  	s23 =	rddreg [dreg:$0xa];
	s10 =	simm.s32 $0x12900;
	[tilespmem:s8+$0x0] =	vst v9  }
0x1bc: {  	[hbm4b:s23+s5] =	stream.linear.scatter [tilespmem:s10], [sflag:$0x3], $0x200, $0x38;
	[tilespmem:$0x12B80] =	vst v63  }
0x1bd: {  	_ =	swait.ge [sflag:s9], $0x200  }
0x1be: {  	s24 =	rddreg [dreg:$0xc]  }
0x1bf: {  	s30 =	rddreg [dreg:$0xb];
	s10 =	sadd.s32 $0x1, s24  }
0x1c0: {  	p0 =	sne.s32 s10, s30  }
.Ltmp3:
0x1c1: {  	_ = 	snop;
	(pc) =	sbr.rel @p0 .LBB2_1-.Ltmp3, $3  }
0x1c2: {  	_ =	sdelay $0x1  }
0x1c3: {  	[sflag:s9] =	ssyncset.done $0x0  }
0x1c4: {  	[sflag:s9] =	ssyncadd.s32 $0xFFFFFE00  }
0x1c5: {  	_ =	sfence.sel $0x180000  }
0x1c6: {  	[bflag:$0x0] =	sbarrier.arrive $0xFFFF  }
0x1c7: {  	_ =	strace $0x90000047  }
0x1c8: {  	s0 =	stileid.u32;
	[bflag:$0x2] =	sbarrier.arrive $0xFFFF  }
0x1c9: {  	p0 =	sne.s32 s0, $0x0;
	s0 =	rddreg [dreg:$0x7]  }
0x1ca: {  	s0 =	sadd.s32 @!p0 $0x100000, s0  }
0x1cb: {  	[sflag:s0] =	ssyncadd.tile.s32 @!p0 $0x1;
	_ =	shalt  }
.Lfunc_end2:
_tile_overlayer_lowered:
.L_overlay_start_2:
0x1cc: {  	(tag) =	ssettag $0x2  }
0x1cd: {  	s0 =	rddreg [dreg:$0x0];
	s2 =	stileid.u32  }
0x1ce: {  	s1 =	rddreg [dreg:$0x1];
	p0 =	sne.s32 s2, $0x0  }
0x1cf: {  	s3 =	rddreg [dreg:$0x2];
	[bflag:$0x3] =	sbarrier.arrive $0xFFFF;
	s2 =	simm.s32 @!p0 $0x1C03  }
0x1d0: {  	[timem:s3], [sflag:s2] =	dma.local @!p0 [hbm:s0], s1  }
0x1d1: {  	s0 =	simm.s32 @!p0 $0x3  }
0x1d2: {  	_ =	swait.ge @!p0 [sflag:s0], s1  }
0x1d3: {  	s1 =	ssub.s32 @!p0 $0x0, s1;
	[sflag:s0] =	ssyncset.done @!p0 $0x0  }
0x1d4: {  	[sflag:s0] =	ssyncadd.s32 @!p0 s1  }
0x1d5: {  	[bflag:$0x3] =	sbarrier.arrive $0xFFFF  }
0x1d6: {  	_ =	shalt  }

</sc_bundles>
